<compile_context>
chip_gen: v7x
topology: tpu7x:2x2x1
jax: 0.10.2.dev20260603
libtpu: 0.0.44.dev20260713+nightly
codegen_flags: <defaults>
</compile_context>

<pallas_src>
import functools

import jax
import jax.numpy as jnp
from jax import lax
from jax.experimental import pallas as pl
from jax.experimental.pallas import tpu as pltpu
from jax.experimental.pallas import tpu_sc as plsc

_B, _C, _H, _W = 4, 192, 16, 16
_HW = _H * _W
_P = _B * _HW
_K, _D = 1024, 64

_NC, _NS, _L = 2, 16, 16
_NW = _NC * _NS
_CPW = 128
_DPW = 16


def _tc_body(x_ref, w_ref, b_ref, cb_ref, enc_ref, idx_ref):
    xb = x_ref[0]
    w = w_ref[...]
    enc = jnp.dot(w, xb, preferred_element_type=jnp.float32,
                  precision=lax.Precision.DEFAULT) + b_ref[...]
    cb = cb_ref[...]
    scores = jnp.dot(cb, enc, preferred_element_type=jnp.float32,
                     precision=lax.Precision.HIGHEST)
    cnorm = jnp.sum(cb * cb, axis=1, keepdims=True)
    dist = cnorm - 2.0 * scores
    minv = jnp.min(dist, axis=0, keepdims=True)
    kiota = lax.broadcasted_iota(jnp.int32, (_K, _HW), 0)
    idx = jnp.min(jnp.where(dist == minv, kiota, _K),
                  axis=0, keepdims=True)
    idx_ref[0] = idx
    enc_ref[0] = enc


def _tc_stage(xr, conv_w, b2, codebook):
    return pl.pallas_call(
        _tc_body,
        grid=(_B,),
        in_specs=[
            pl.BlockSpec((1, _C, _HW), lambda b: (b, 0, 0)),
            pl.BlockSpec((_D, _C), lambda b: (0, 0)),
            pl.BlockSpec((_D, 1), lambda b: (0, 0)),
            pl.BlockSpec((_K, _D), lambda b: (0, 0)),
        ],
        out_specs=[
            pl.BlockSpec((1, _D, _HW), lambda b: (b, 0, 0)),
            pl.BlockSpec((1, 1, _HW), lambda b: (b, 0, 0)),
        ],
        out_shape=[
            jax.ShapeDtypeStruct((_B, _D, _HW), jnp.float32),
            jax.ShapeDtypeStruct((_B, 1, _HW), jnp.int32),
        ],
    )(xr, conv_w, b2, codebook)


def _sc_gather_body(idx_hbm, cb_hbm, emb_hbm, idx_v, idx2_v, rows_v, out_v,
                    sem):
    wid = lax.axis_index("s") * _NC + lax.axis_index("c")
    b = wid // (_NW // _B)
    r = wid % (_NW // _B)
    c0 = (r // 4) * _CPW
    d0 = (r % 4) * _DPW
    pltpu.sync_copy(idx_hbm.at[pl.ds(b * _HW + c0, _CPW)], idx_v)
    for j in range(_CPW // _L):
        idx2_v[pl.ds(j * _L, _L)] = idx_v[pl.ds(j * _L, _L)] >> 1
    pltpu.async_copy(cb_hbm.at[idx2_v], rows_v, sem).wait()
    lane = lax.broadcasted_iota(jnp.int32, (_L,), 0)
    for j in range(_CPW // _L):
        row_idx = lane + (j * _L)
        half = (idx_v[pl.ds(j * _L, _L)] & 1) * _D
        for d in range(_DPW):
            vals = plsc.load_gather(rows_v, [row_idx, half + (d0 + d)])
            out_v[d, pl.ds(j * _L, _L)] = vals
    pltpu.sync_copy(out_v, emb_hbm.at[b, pl.ds(d0, _DPW), pl.ds(c0, _CPW)])


@functools.partial(
    pl.kernel,
    out_type=jax.ShapeDtypeStruct((_B, _D, _HW), jnp.float32),
    mesh=plsc.VectorSubcoreMesh(core_axis_name="c", subcore_axis_name="s"),
    compiler_params=pltpu.CompilerParams(needs_layout_passes=False),
    scratch_types=[
        pltpu.VMEM((_CPW,), jnp.int32),
        pltpu.VMEM((_CPW,), jnp.int32),
        pltpu.VMEM((_CPW, 2 * _D), jnp.float32),
        pltpu.VMEM((_DPW, _CPW), jnp.float32),
        pltpu.SemaphoreType.DMA,
    ],
)
def _sc_gather(idx_hbm, cb_hbm, emb_hbm, idx_v, idx2_v, rows_v, out_v, sem):
    _sc_gather_body(idx_hbm, cb_hbm, emb_hbm, idx_v, idx2_v, rows_v, out_v,
                    sem)


def kernel(x, conv_w, conv_b, codebook):
    xr = x.reshape(_B, _C, _HW)
    b2 = conv_b.reshape(_D, 1)
    enc, idx = _tc_stage(xr, conv_w, b2, codebook)
    emb = _sc_gather(idx.reshape(_P), codebook.reshape(_K // 2, 2 * _D))
    return (emb.reshape(_B, _D, _H, _W),
            emb.reshape(_B, _D, _H, _W),
            enc.reshape(_B, _D, _H, _W),
            idx.reshape(_B, _H, _W))

# --- scband reference (transcript-rebuilt; emitter-appended) ---
"""Pipeline reference for scband-vqlayer-58884001628201 (READ-ONLY COPY).

The authoritative reference and input builder live on the scoring server;
editing this copy changes nothing except your own understanding.
"""

import jax, jax.numpy as jnp
import numpy as np

B, C, H, W = 4, 192, 16, 16
K, D = 1024, 64

def setup_inputs(seed: int = 0) -> dict:
    key = jax.random.key(seed)
    k1, k2, k3, k4 = jax.random.split(key, 4)
    x = jax.random.normal(k1, (B, C, H, W), dtype=jnp.float32)
    conv_w = jax.random.normal(k2, (D, C), dtype=jnp.float32) * (1.0 / np.sqrt(C))
    conv_b = jax.random.normal(k3, (D,), dtype=jnp.float32) * 0.01
    codebook = jax.random.normal(k4, (K, D), dtype=jnp.float32)
    return {"x": x, "conv_w": conv_w, "conv_b": conv_b, "codebook": codebook}

def reference(x, conv_w, conv_b, codebook):
    # 1x1 conv: (B,C,H,W) x (D,C) -> (B,D,H,W)
    encoded = jnp.einsum('bchw,dc->bdhw', x, conv_w) + conv_b[None, :, None, None]
    Bb, Dd, Hh, Ww = encoded.shape
    encoded_reshape = encoded.reshape(Bb, Dd, Hh * Ww, 1)
    code = codebook.T.reshape(1, Dd, 1, K)
    squared_dist = ((encoded_reshape - code) ** 2).sum(axis=1)  # (B, HW, K)
    indices = jnp.argmin(squared_dist, axis=2).reshape(Bb, Hh, Ww)
    embeddings = codebook[indices]                # (B, H, W, D) gather
    embeddings = jnp.transpose(embeddings, (0, 3, 1, 2))  # (B, D, H, W)
    out = encoded + jax.lax.stop_gradient(embeddings - encoded)  # straight-through
    return (out, embeddings, encoded, indices)

if __name__ == "__main__":
    import jax
    _d = setup_inputs()
    print(jax.jit(kernel)(*tuple(_d.values())))

</pallas_src>

<mosaic_0001>
#map = affine_map<(d0, d1) -> (0)>
#map1 = affine_map<(d0, d1) -> (0, 0)>
#map2 = affine_map<(d0, d1) -> (0, 0, 0)>
module attributes {stable_mosaic.version = 14 : i64} {
  func.func @_sc_gather(%arg0: i32, %arg1: i32, %arg2: memref<1024xi32, #tpu.memory_space<hbm>>, %arg3: memref<512x128xf32, #tpu.memory_space<hbm>>, %arg4: memref<4x64x256xf32, #tpu.memory_space<hbm>>, %arg5: memref<128xi32, #tpu.memory_space<vmem>>, %arg6: memref<128xi32, #tpu.memory_space<vmem>>, %arg7: memref<128x128xf32, #tpu.memory_space<vmem>>, %arg8: memref<16x128xf32, #tpu.memory_space<vmem>>, %arg9: memref<!tpu.dma_semaphore, #tpu.memory_space<semaphore_mem>>) attributes {dimension_semantics = [#tpu.dimension_semantics<core_parallel>, #tpu.dimension_semantics<subcore_parallel>], iteration_bounds = array<i64: 2, 16>, scalar_prefetch = 0 : i64, scratch_operands = 5 : i64, tpu.core_type = #tpu.core_type<sc_vector_subcore>, window_params = [{transform_indices = #map}, {transform_indices = #map1}, {transform_indices = #map2}]} {
    %mul3A = arith.constant 2 : i32
    %mul3A_0 = arith.muli %arg1, %mul3A : i32
    %add3A = arith.addi %mul3A_0, %arg0 : i32
    %jit3A = arith.constant 8 : i32
    %div3A = arith.divsi %add3A, %jit3A : i32
    %sign3A = arith.constant 0 : i32
    %sign3A_1 = arith.cmpi sgt, %add3A, %sign3A : i32
    %sign3A_2 = arith.extui %sign3A_1 : i1 to i32
    %sign3A_3 = arith.constant 0 : i32
    %sign3A_4 = arith.cmpi slt, %add3A, %sign3A_3 : i32
    %sign3A_5 = arith.extui %sign3A_4 : i1 to i32
    %sign3A_6 = arith.subi %sign3A_2, %sign3A_5 : i32
    %sign3A_7 = arith.constant 0 : i32
    %sign3A_8 = arith.cmpi sgt, %jit3A, %sign3A_7 : i32
    %sign3A_9 = arith.extui %sign3A_8 : i1 to i32
    %sign3A_10 = arith.constant 0 : i32
    %sign3A_11 = arith.cmpi slt, %jit3A, %sign3A_10 : i32
    %sign3A_12 = arith.extui %sign3A_11 : i1 to i32
    %sign3A_13 = arith.subi %sign3A_9, %sign3A_12 : i32
    %ne3A = arith.cmpi ne, %sign3A_6, %sign3A_13 : i32
    %rem3A = arith.remsi %add3A, %jit3A : i32
    %ne3A_14 = arith.constant 0 : i32
    %ne3A_15 = arith.cmpi ne, %rem3A, %ne3A_14 : i32
    %and3A = arith.andi %ne3A, %ne3A_15 : i1
    %sub3A = arith.constant 1 : i32
    %sub3A_16 = arith.subi %div3A, %sub3A : i32
    %select_n3A = arith.select %and3A, %sub3A_16, %div3A : i32
    %jit3A_17 = arith.constant 8 : i32
    %eq3A = arith.constant 0 : i32
    %eq3A_18 = arith.cmpi eq, %jit3A_17, %eq3A : i32
    %jit3A_19 = arith.constant 1 : i32
    %select_n3A_20 = arith.select %eq3A_18, %jit3A_19, %jit3A_17 : i32
    %rem3A_21 = arith.remsi %add3A, %select_n3A_20 : i32
    %ne3A_22 = arith.constant 0 : i32
    %ne3A_23 = arith.cmpi ne, %rem3A_21, %ne3A_22 : i32
    %lt3A = arith.constant 0 : i32
    %lt3A_24 = arith.cmpi slt, %rem3A_21, %lt3A : i32
    %lt3A_25 = arith.constant 0 : i32
    %lt3A_26 = arith.cmpi slt, %select_n3A_20, %lt3A_25 : i32
    %ne3A_27 = arith.xori %lt3A_24, %lt3A_26 : i1
    %and3A_28 = arith.andi %ne3A_27, %ne3A_23 : i1
    %add3A_29 = arith.addi %rem3A_21, %select_n3A_20 : i32
    %select_n3A_30 = arith.select %and3A_28, %add3A_29, %rem3A_21 : i32
    %jit3A_31 = arith.constant 4 : i32
    %div3A_32 = arith.divsi %select_n3A_30, %jit3A_31 : i32
    %sign3A_33 = arith.constant 0 : i32
    %sign3A_34 = arith.cmpi sgt, %select_n3A_30, %sign3A_33 : i32
    %sign3A_35 = arith.extui %sign3A_34 : i1 to i32
    %sign3A_36 = arith.constant 0 : i32
    %sign3A_37 = arith.cmpi slt, %select_n3A_30, %sign3A_36 : i32
    %sign3A_38 = arith.extui %sign3A_37 : i1 to i32
    %sign3A_39 = arith.subi %sign3A_35, %sign3A_38 : i32
    %sign3A_40 = arith.constant 0 : i32
    %sign3A_41 = arith.cmpi sgt, %jit3A_31, %sign3A_40 : i32
    %sign3A_42 = arith.extui %sign3A_41 : i1 to i32
    %sign3A_43 = arith.constant 0 : i32
    %sign3A_44 = arith.cmpi slt, %jit3A_31, %sign3A_43 : i32
    %sign3A_45 = arith.extui %sign3A_44 : i1 to i32
    %sign3A_46 = arith.subi %sign3A_42, %sign3A_45 : i32
    %ne3A_47 = arith.cmpi ne, %sign3A_39, %sign3A_46 : i32
    %rem3A_48 = arith.remsi %select_n3A_30, %jit3A_31 : i32
    %ne3A_49 = arith.constant 0 : i32
    %ne3A_50 = arith.cmpi ne, %rem3A_48, %ne3A_49 : i32
    %and3A_51 = arith.andi %ne3A_47, %ne3A_50 : i1
    %sub3A_52 = arith.constant 1 : i32
    %sub3A_53 = arith.subi %div3A_32, %sub3A_52 : i32
    %select_n3A_54 = arith.select %and3A_51, %sub3A_53, %div3A_32 : i32
    %mul3A_55 = arith.constant 128 : i32
    %mul3A_56 = arith.muli %select_n3A_54, %mul3A_55 : i32
    %jit3A_57 = arith.constant 4 : i32
    %eq3A_58 = arith.constant 0 : i32
    %eq3A_59 = arith.cmpi eq, %jit3A_57, %eq3A_58 : i32
    %jit3A_60 = arith.constant 1 : i32
    %select_n3A_61 = arith.select %eq3A_59, %jit3A_60, %jit3A_57 : i32
    %rem3A_62 = arith.remsi %select_n3A_30, %select_n3A_61 : i32
    %ne3A_63 = arith.constant 0 : i32
    %ne3A_64 = arith.cmpi ne, %rem3A_62, %ne3A_63 : i32
    %lt3A_65 = arith.constant 0 : i32
    %lt3A_66 = arith.cmpi slt, %rem3A_62, %lt3A_65 : i32
    %lt3A_67 = arith.constant 0 : i32
    %lt3A_68 = arith.cmpi slt, %select_n3A_61, %lt3A_67 : i32
    %ne3A_69 = arith.xori %lt3A_66, %lt3A_68 : i1
    %and3A_70 = arith.andi %ne3A_69, %ne3A_64 : i1
    %add3A_71 = arith.addi %rem3A_62, %select_n3A_61 : i32
    %select_n3A_72 = arith.select %and3A_70, %add3A_71, %rem3A_62 : i32
    %mul3A_73 = arith.constant 16 : i32
    %mul3A_74 = arith.muli %select_n3A_72, %mul3A_73 : i32
    %mul3A_75 = arith.constant 256 : i32
    %mul3A_76 = arith.muli %select_n3A, %mul3A_75 : i32
    %add3A_77 = arith.addi %mul3A_76, %mul3A_56 : i32
    "tpu.region"() ({
      %run_scoped3A = tpu.sem_alloc : memref<!tpu.dma_semaphore, #tpu.memory_space<semaphore_mem>>
      %dma_start3A_1374 = tpu.memref_slice %arg2[%add3A_77] : memref<1024xi32, #tpu.memory_space<hbm>> -> memref<128xi32, #tpu.memory_space<hbm>>
      %dma_start3A_1375 = tpu.memref_slice %arg2[%add3A_77] : memref<1024xi32, #tpu.memory_space<hbm>> -> memref<128xi32, #tpu.memory_space<hbm>>
      tpu.enqueue_dma source(%dma_start3A_1375 : memref<128xi32, #tpu.memory_space<hbm>>) target(%arg5 : memref<128xi32, #tpu.memory_space<vmem>>) target_semaphore(%run_scoped3A : memref<!tpu.dma_semaphore, #tpu.memory_space<semaphore_mem>>)
      %dma_wait3A_1376 = tpu.memref_slice %arg2[%add3A_77] : memref<1024xi32, #tpu.memory_space<hbm>> -> memref<128xi32, #tpu.memory_space<hbm>>
      %dma_wait3A_1377 = tpu.memref_slice %arg2[%add3A_77] : memref<1024xi32, #tpu.memory_space<hbm>> -> memref<128xi32, #tpu.memory_space<hbm>>
      tpu.wait_dma2 semaphore(%run_scoped3A : memref<!tpu.dma_semaphore, #tpu.memory_space<semaphore_mem>>) src(%dma_wait3A_1377 : memref<128xi32, #tpu.memory_space<hbm>>) dst(%arg5 : memref<128xi32, #tpu.memory_space<vmem>>)
      tpu.yield
    }) : () -> ()
    %get3A = arith.constant 0 : index
    %get3A_78 = tpu.vector_load %arg5[%get3A] {strides = array<i32>} : memref<128xi32, #tpu.memory_space<vmem>>, vector<16xi32>,
    %shift_right_arithmetic3A = arith.constant 1 : i32
    %shift_right_arithmetic3A_79 = vector.broadcast %shift_right_arithmetic3A : i32 to vector<16xi32>
    %shift_right_arithmetic3A_80 = arith.shrsi %get3A_78, %shift_right_arithmetic3A_79 : vector<16xi32>
    %swap3A = arith.constant 0 : index
    %swap3A_81 = tpu.vector_load %arg6[%swap3A] {strides = array<i32>} : memref<128xi32, #tpu.memory_space<vmem>>, vector<16xi32>,
    tpu.vector_store %arg6[%swap3A], %shift_right_arithmetic3A_80 {strides = array<i32>} : memref<128xi32, #tpu.memory_space<vmem>>, vector<16xi32>,
    %get3A_82 = arith.constant 16 : index
    %get3A_83 = tpu.vector_load %arg5[%get3A_82] {strides = array<i32>} : memref<128xi32, #tpu.memory_space<vmem>>, vector<16xi32>,
    %shift_right_arithmetic3A_84 = arith.constant 1 : i32
    %shift_right_arithmetic3A_85 = vector.broadcast %shift_right_arithmetic3A_84 : i32 to vector<16xi32>
    %shift_right_arithmetic3A_86 = arith.shrsi %get3A_83, %shift_right_arithmetic3A_85 : vector<16xi32>
    %swap3A_87 = arith.constant 16 : index
    %swap3A_88 = tpu.vector_load %arg6[%swap3A_87] {strides = array<i32>} : memref<128xi32, #tpu.memory_space<vmem>>, vector<16xi32>,
    tpu.vector_store %arg6[%swap3A_87], %shift_right_arithmetic3A_86 {strides = array<i32>} : memref<128xi32, #tpu.memory_space<vmem>>, vector<16xi32>,
    %get3A_89 = arith.constant 32 : index
    %get3A_90 = tpu.vector_load %arg5[%get3A_89] {strides = array<i32>} : memref<128xi32, #tpu.memory_space<vmem>>, vector<16xi32>,
    %shift_right_arithmetic3A_91 = arith.constant 1 : i32
    %shift_right_arithmetic3A_92 = vector.broadcast %shift_right_arithmetic3A_91 : i32 to vector<16xi32>
    %shift_right_arithmetic3A_93 = arith.shrsi %get3A_90, %shift_right_arithmetic3A_92 : vector<16xi32>
    %swap3A_94 = arith.constant 32 : index
    %swap3A_95 = tpu.vector_load %arg6[%swap3A_94] {strides = array<i32>} : memref<128xi32, #tpu.memory_space<vmem>>, vector<16xi32>,
    tpu.vector_store %arg6[%swap3A_94], %shift_right_arithmetic3A_93 {strides = array<i32>} : memref<128xi32, #tpu.memory_space<vmem>>, vector<16xi32>,
    %get3A_96 = arith.constant 48 : index
    %get3A_97 = tpu.vector_load %arg5[%get3A_96] {strides = array<i32>} : memref<128xi32, #tpu.memory_space<vmem>>, vector<16xi32>,
    %shift_right_arithmetic3A_98 = arith.constant 1 : i32
    %shift_right_arithmetic3A_99 = vector.broadcast %shift_right_arithmetic3A_98 : i32 to vector<16xi32>
    %shift_right_arithmetic3A_100 = arith.shrsi %get3A_97, %shift_right_arithmetic3A_99 : vector<16xi32>
    %swap3A_101 = arith.constant 48 : index
    %swap3A_102 = tpu.vector_load %arg6[%swap3A_101] {strides = array<i32>} : memref<128xi32, #tpu.memory_space<vmem>>, vector<16xi32>,
    tpu.vector_store %arg6[%swap3A_101], %shift_right_arithmetic3A_100 {strides = array<i32>} : memref<128xi32, #tpu.memory_space<vmem>>, vector<16xi32>,
    %get3A_103 = arith.constant 64 : index
    %get3A_104 = tpu.vector_load %arg5[%get3A_103] {strides = array<i32>} : memref<128xi32, #tpu.memory_space<vmem>>, vector<16xi32>,
    %shift_right_arithmetic3A_105 = arith.constant 1 : i32
    %shift_right_arithmetic3A_106 = vector.broadcast %shift_right_arithmetic3A_105 : i32 to vector<16xi32>
    %shift_right_arithmetic3A_107 = arith.shrsi %get3A_104, %shift_right_arithmetic3A_106 : vector<16xi32>
    %swap3A_108 = arith.constant 64 : index
    %swap3A_109 = tpu.vector_load %arg6[%swap3A_108] {strides = array<i32>} : memref<128xi32, #tpu.memory_space<vmem>>, vector<16xi32>,
    tpu.vector_store %arg6[%swap3A_108], %shift_right_arithmetic3A_107 {strides = array<i32>} : memref<128xi32, #tpu.memory_space<vmem>>, vector<16xi32>,
    %get3A_110 = arith.constant 80 : index
    %get3A_111 = tpu.vector_load %arg5[%get3A_110] {strides = array<i32>} : memref<128xi32, #tpu.memory_space<vmem>>, vector<16xi32>,
    %shift_right_arithmetic3A_112 = arith.constant 1 : i32
    %shift_right_arithmetic3A_113 = vector.broadcast %shift_right_arithmetic3A_112 : i32 to vector<16xi32>
    %shift_right_arithmetic3A_114 = arith.shrsi %get3A_111, %shift_right_arithmetic3A_113 : vector<16xi32>
    %swap3A_115 = arith.constant 80 : index
    %swap3A_116 = tpu.vector_load %arg6[%swap3A_115] {strides = array<i32>} : memref<128xi32, #tpu.memory_space<vmem>>, vector<16xi32>,
    tpu.vector_store %arg6[%swap3A_115], %shift_right_arithmetic3A_114 {strides = array<i32>} : memref<128xi32, #tpu.memory_space<vmem>>, vector<16xi32>,
    %get3A_117 = arith.constant 96 : index
    %get3A_118 = tpu.vector_load %arg5[%get3A_117] {strides = array<i32>} : memref<128xi32, #tpu.memory_space<vmem>>, vector<16xi32>,
    %shift_right_arithmetic3A_119 = arith.constant 1 : i32
    %shift_right_arithmetic3A_120 = vector.broadcast %shift_right_arithmetic3A_119 : i32 to vector<16xi32>
    %shift_right_arithmetic3A_121 = arith.shrsi %get3A_118, %shift_right_arithmetic3A_120 : vector<16xi32>
    %swap3A_122 = arith.constant 96 : index
    %swap3A_123 = tpu.vector_load %arg6[%swap3A_122] {strides = array<i32>} : memref<128xi32, #tpu.memory_space<vmem>>, vector<16xi32>,
    tpu.vector_store %arg6[%swap3A_122], %shift_right_arithmetic3A_121 {strides = array<i32>} : memref<128xi32, #tpu.memory_space<vmem>>, vector<16xi32>,
    %get3A_124 = arith.constant 112 : index
    %get3A_125 = tpu.vector_load %arg5[%get3A_124] {strides = array<i32>} : memref<128xi32, #tpu.memory_space<vmem>>, vector<16xi32>,
    %shift_right_arithmetic3A_126 = arith.constant 1 : i32
    %shift_right_arithmetic3A_127 = vector.broadcast %shift_right_arithmetic3A_126 : i32 to vector<16xi32>
    %shift_right_arithmetic3A_128 = arith.shrsi %get3A_125, %shift_right_arithmetic3A_127 : vector<16xi32>
    %swap3A_129 = arith.constant 112 : index
    %swap3A_130 = tpu.vector_load %arg6[%swap3A_129] {strides = array<i32>} : memref<128xi32, #tpu.memory_space<vmem>>, vector<16xi32>,
    tpu.vector_store %arg6[%swap3A_129], %shift_right_arithmetic3A_128 {strides = array<i32>} : memref<128xi32, #tpu.memory_space<vmem>>, vector<16xi32>,
    %dma_start3A = arith.constant 0 : i32
    %dma_start3A_131 = arith.constant 0 : i32
    %dma_start3A_132 = tpu.memref_slice %arg3[%dma_start3A, %dma_start3A_131] : memref<512x128xf32, #tpu.memory_space<hbm>> -> memref<512x128xf32, #tpu.memory_space<hbm>>
    tpu.enqueue_indirect_dma source(%dma_start3A_132 : memref<512x128xf32, #tpu.memory_space<hbm>>) target(%arg7 : memref<128x128xf32, #tpu.memory_space<vmem>>) offsets(%arg6 : memref<128xi32, #tpu.memory_space<vmem>>) semaphore(%arg9 : memref<!tpu.dma_semaphore, #tpu.memory_space<semaphore_mem>>)
    %dma_wait3A = arith.constant 0 : i32
    %dma_wait3A_133 = arith.constant 0 : i32
    %dma_wait3A_134 = tpu.memref_slice %arg3[%dma_wait3A, %dma_wait3A_133] : memref<512x128xf32, #tpu.memory_space<hbm>> -> memref<512x128xf32, #tpu.memory_space<hbm>>
    tpu.wait_indirect_dma semaphore(%arg9 : memref<!tpu.dma_semaphore, #tpu.memory_space<semaphore_mem>>) src(%dma_wait3A_134 : memref<512x128xf32, #tpu.memory_space<hbm>>) dst(%arg7 : memref<128x128xf32, #tpu.memory_space<vmem>>)
    %iota3A = tpu.iota {dimensions = array<i32: 0>} : vector<16xi32>
    %add3A_135 = arith.constant 0 : i32
    %add3A_136 = vector.broadcast %add3A_135 : i32 to vector<16xi32>
    %add3A_137 = arith.addi %iota3A, %add3A_136 : vector<16xi32>
    %get3A_138 = arith.constant 0 : index
    %get3A_139 = tpu.vector_load %arg5[%get3A_138] {strides = array<i32>} : memref<128xi32, #tpu.memory_space<vmem>>, vector<16xi32>,
    %and3A_140 = arith.constant 1 : i32
    %and3A_141 = vector.broadcast %and3A_140 : i32 to vector<16xi32>
    %and3A_142 = arith.andi %get3A_139, %and3A_141 : vector<16xi32>
    %mul3A_143 = arith.constant 64 : i32
    %mul3A_144 = vector.broadcast %mul3A_143 : i32 to vector<16xi32>
    %mul3A_145 = arith.muli %and3A_142, %mul3A_144 : vector<16xi32>
    %add3A_146 = arith.constant 0 : i32
    %add3A_147 = arith.addi %mul3A_74, %add3A_146 : i32
    %add3A_148 = vector.broadcast %add3A_147 : i32 to vector<16xi32>
    %add3A_149 = arith.addi %mul3A_145, %add3A_148 : vector<16xi32>
    %gather3A = tpu.vector_load_idx %arg7[%add3A_137, %add3A_149] : memref<128x128xf32, #tpu.memory_space<vmem>>[vector<16xi32>, vector<16xi32>], vector<16xf32>,
    %swap3A_150 = arith.constant 0 : i32
    %swap3A_151 = arith.index_cast %swap3A_150 : i32 to index
    %swap3A_152 = arith.constant 0 : index
    %swap3A_153 = tpu.vector_load %arg8[%swap3A_151, %swap3A_152] {strides = array<i32>} : memref<16x128xf32, #tpu.memory_space<vmem>>, vector<16xf32>,
    tpu.vector_store %arg8[%swap3A_151, %swap3A_152], %gather3A {strides = array<i32>} : memref<16x128xf32, #tpu.memory_space<vmem>>, vector<16xf32>,
    %add3A_154 = arith.constant 1 : i32
    %add3A_155 = arith.addi %mul3A_74, %add3A_154 : i32
    %add3A_156 = vector.broadcast %add3A_155 : i32 to vector<16xi32>
    %add3A_157 = arith.addi %mul3A_145, %add3A_156 : vector<16xi32>
    %gather3A_158 = tpu.vector_load_idx %arg7[%add3A_137, %add3A_157] : memref<128x128xf32, #tpu.memory_space<vmem>>[vector<16xi32>, vector<16xi32>], vector<16xf32>,
    %swap3A_159 = arith.constant 1 : i32
    %swap3A_160 = arith.index_cast %swap3A_159 : i32 to index
    %swap3A_161 = arith.constant 0 : index
    %swap3A_162 = tpu.vector_load %arg8[%swap3A_160, %swap3A_161] {strides = array<i32>} : memref<16x128xf32, #tpu.memory_space<vmem>>, vector<16xf32>,
    tpu.vector_store %arg8[%swap3A_160, %swap3A_161], %gather3A_158 {strides = array<i32>} : memref<16x128xf32, #tpu.memory_space<vmem>>, vector<16xf32>,
    %add3A_163 = arith.constant 2 : i32
    %add3A_164 = arith.addi %mul3A_74, %add3A_163 : i32
    %add3A_165 = vector.broadcast %add3A_164 : i32 to vector<16xi32>
    %add3A_166 = arith.addi %mul3A_145, %add3A_165 : vector<16xi32>
    %gather3A_167 = tpu.vector_load_idx %arg7[%add3A_137, %add3A_166] : memref<128x128xf32, #tpu.memory_space<vmem>>[vector<16xi32>, vector<16xi32>], vector<16xf32>,
    %swap3A_168 = arith.constant 2 : i32
    %swap3A_169 = arith.index_cast %swap3A_168 : i32 to index
    %swap3A_170 = arith.constant 0 : index
    %swap3A_171 = tpu.vector_load %arg8[%swap3A_169, %swap3A_170] {strides = array<i32>} : memref<16x128xf32, #tpu.memory_space<vmem>>, vector<16xf32>,
    tpu.vector_store %arg8[%swap3A_169, %swap3A_170], %gather3A_167 {strides = array<i32>} : memref<16x128xf32, #tpu.memory_space<vmem>>, vector<16xf32>,
    %add3A_172 = arith.constant 3 : i32
    %add3A_173 = arith.addi %mul3A_74, %add3A_172 : i32
    %add3A_174 = vector.broadcast %add3A_173 : i32 to vector<16xi32>
    %add3A_175 = arith.addi %mul3A_145, %add3A_174 : vector<16xi32>
    %gather3A_176 = tpu.vector_load_idx %arg7[%add3A_137, %add3A_175] : memref<128x128xf32, #tpu.memory_space<vmem>>[vector<16xi32>, vector<16xi32>], vector<16xf32>,
    %swap3A_177 = arith.constant 3 : i32
    %swap3A_178 = arith.index_cast %swap3A_177 : i32 to index
    %swap3A_179 = arith.constant 0 : index
    %swap3A_180 = tpu.vector_load %arg8[%swap3A_178, %swap3A_179] {strides = array<i32>} : memref<16x128xf32, #tpu.memory_space<vmem>>, vector<16xf32>,
    tpu.vector_store %arg8[%swap3A_178, %swap3A_179], %gather3A_176 {strides = array<i32>} : memref<16x128xf32, #tpu.memory_space<vmem>>, vector<16xf32>,
    %add3A_181 = arith.constant 4 : i32
    %add3A_182 = arith.addi %mul3A_74, %add3A_181 : i32
    %add3A_183 = vector.broadcast %add3A_182 : i32 to vector<16xi32>
    %add3A_184 = arith.addi %mul3A_145, %add3A_183 : vector<16xi32>
    %gather3A_185 = tpu.vector_load_idx %arg7[%add3A_137, %add3A_184] : memref<128x128xf32, #tpu.memory_space<vmem>>[vector<16xi32>, vector<16xi32>], vector<16xf32>,
    %swap3A_186 = arith.constant 4 : i32
    %swap3A_187 = arith.index_cast %swap3A_186 : i32 to index
    %swap3A_188 = arith.constant 0 : index
    %swap3A_189 = tpu.vector_load %arg8[%swap3A_187, %swap3A_188] {strides = array<i32>} : memref<16x128xf32, #tpu.memory_space<vmem>>, vector<16xf32>,
    tpu.vector_store %arg8[%swap3A_187, %swap3A_188], %gather3A_185 {strides = array<i32>} : memref<16x128xf32, #tpu.memory_space<vmem>>, vector<16xf32>,
    %add3A_190 = arith.constant 5 : i32
    %add3A_191 = arith.addi %mul3A_74, %add3A_190 : i32
    %add3A_192 = vector.broadcast %add3A_191 : i32 to vector<16xi32>
    %add3A_193 = arith.addi %mul3A_145, %add3A_192 : vector<16xi32>
    %gather3A_194 = tpu.vector_load_idx %arg7[%add3A_137, %add3A_193] : memref<128x128xf32, #tpu.memory_space<vmem>>[vector<16xi32>, vector<16xi32>], vector<16xf32>,
    %swap3A_195 = arith.constant 5 : i32
    %swap3A_196 = arith.index_cast %swap3A_195 : i32 to index
    %swap3A_197 = arith.constant 0 : index
    %swap3A_198 = tpu.vector_load %arg8[%swap3A_196, %swap3A_197] {strides = array<i32>} : memref<16x128xf32, #tpu.memory_space<vmem>>, vector<16xf32>,
    tpu.vector_store %arg8[%swap3A_196, %swap3A_197], %gather3A_194 {strides = array<i32>} : memref<16x128xf32, #tpu.memory_space<vmem>>, vector<16xf32>,
    %add3A_199 = arith.constant 6 : i32
    %add3A_200 = arith.addi %mul3A_74, %add3A_199 : i32
    %add3A_201 = vector.broadcast %add3A_200 : i32 to vector<16xi32>
    %add3A_202 = arith.addi %mul3A_145, %add3A_201 : vector<16xi32>
    %gather3A_203 = tpu.vector_load_idx %arg7[%add3A_137, %add3A_202] : memref<128x128xf32, #tpu.memory_space<vmem>>[vector<16xi32>, vector<16xi32>], vector<16xf32>,
    %swap3A_204 = arith.constant 6 : i32
    %swap3A_205 = arith.index_cast %swap3A_204 : i32 to index
    %swap3A_206 = arith.constant 0 : index
    %swap3A_207 = tpu.vector_load %arg8[%swap3A_205, %swap3A_206] {strides = array<i32>} : memref<16x128xf32, #tpu.memory_space<vmem>>, vector<16xf32>,
    tpu.vector_store %arg8[%swap3A_205, %swap3A_206], %gather3A_203 {strides = array<i32>} : memref<16x128xf32, #tpu.memory_space<vmem>>, vector<16xf32>,
    %add3A_208 = arith.constant 7 : i32
    %add3A_209 = arith.addi %mul3A_74, %add3A_208 : i32
    %add3A_210 = vector.broadcast %add3A_209 : i32 to vector<16xi32>
    %add3A_211 = arith.addi %mul3A_145, %add3A_210 : vector<16xi32>
    %gather3A_212 = tpu.vector_load_idx %arg7[%add3A_137, %add3A_211] : memref<128x128xf32, #tpu.memory_space<vmem>>[vector<16xi32>, vector<16xi32>], vector<16xf32>,
    %swap3A_213 = arith.constant 7 : i32
    %swap3A_214 = arith.index_cast %swap3A_213 : i32 to index
    %swap3A_215 = arith.constant 0 : index
    %swap3A_216 = tpu.vector_load %arg8[%swap3A_214, %swap3A_215] {strides = array<i32>} : memref<16x128xf32, #tpu.memory_space<vmem>>, vector<16xf32>,
    tpu.vector_store %arg8[%swap3A_214, %swap3A_215], %gather3A_212 {strides = array<i32>} : memref<16x128xf32, #tpu.memory_space<vmem>>, vector<16xf32>,
    %add3A_217 = arith.constant 8 : i32
    %add3A_218 = arith.addi %mul3A_74, %add3A_217 : i32
    %add3A_219 = vector.broadcast %add3A_218 : i32 to vector<16xi32>
    %add3A_220 = arith.addi %mul3A_145, %add3A_219 : vector<16xi32>
    %gather3A_221 = tpu.vector_load_idx %arg7[%add3A_137, %add3A_220] : memref<128x128xf32, #tpu.memory_space<vmem>>[vector<16xi32>, vector<16xi32>], vector<16xf32>,
    %swap3A_222 = arith.constant 8 : i32
    %swap3A_223 = arith.index_cast %swap3A_222 : i32 to index
    %swap3A_224 = arith.constant 0 : index
    %swap3A_225 = tpu.vector_load %arg8[%swap3A_223, %swap3A_224] {strides = array<i32>} : memref<16x128xf32, #tpu.memory_space<vmem>>, vector<16xf32>,
    tpu.vector_store %arg8[%swap3A_223, %swap3A_224], %gather3A_221 {strides = array<i32>} : memref<16x128xf32, #tpu.memory_space<vmem>>, vector<16xf32>,
    %add3A_226 = arith.constant 9 : i32
    %add3A_227 = arith.addi %mul3A_74, %add3A_226 : i32
    %add3A_228 = vector.broadcast %add3A_227 : i32 to vector<16xi32>
    %add3A_229 = arith.addi %mul3A_145, %add3A_228 : vector<16xi32>
    %gather3A_230 = tpu.vector_load_idx %arg7[%add3A_137, %add3A_229] : memref<128x128xf32, #tpu.memory_space<vmem>>[vector<16xi32>, vector<16xi32>], vector<16xf32>,
    %swap3A_231 = arith.constant 9 : i32
    %swap3A_232 = arith.index_cast %swap3A_231 : i32 to index
    %swap3A_233 = arith.constant 0 : index
    %swap3A_234 = tpu.vector_load %arg8[%swap3A_232, %swap3A_233] {strides = array<i32>} : memref<16x128xf32, #tpu.memory_space<vmem>>, vector<16xf32>,
    tpu.vector_store %arg8[%swap3A_232, %swap3A_233], %gather3A_230 {strides = array<i32>} : memref<16x128xf32, #tpu.memory_space<vmem>>, vector<16xf32>,
    %add3A_235 = arith.constant 10 : i32
    %add3A_236 = arith.addi %mul3A_74, %add3A_235 : i32
    %add3A_237 = vector.broadcast %add3A_236 : i32 to vector<16xi32>
    %add3A_238 = arith.addi %mul3A_145, %add3A_237 : vector<16xi32>
    %gather3A_239 = tpu.vector_load_idx %arg7[%add3A_137, %add3A_238] : memref<128x128xf32, #tpu.memory_space<vmem>>[vector<16xi32>, vector<16xi32>], vector<16xf32>,
    %swap3A_240 = arith.constant 10 : i32
    %swap3A_241 = arith.index_cast %swap3A_240 : i32 to index
    %swap3A_242 = arith.constant 0 : index
    %swap3A_243 = tpu.vector_load %arg8[%swap3A_241, %swap3A_242] {strides = array<i32>} : memref<16x128xf32, #tpu.memory_space<vmem>>, vector<16xf32>,
    tpu.vector_store %arg8[%swap3A_241, %swap3A_242], %gather3A_239 {strides = array<i32>} : memref<16x128xf32, #tpu.memory_space<vmem>>, vector<16xf32>,
    %add3A_244 = arith.constant 11 : i32
    %add3A_245 = arith.addi %mul3A_74, %add3A_244 : i32
    %add3A_246 = vector.broadcast %add3A_245 : i32 to vector<16xi32>
    %add3A_247 = arith.addi %mul3A_145, %add3A_246 : vector<16xi32>
    %gather3A_248 = tpu.vector_load_idx %arg7[%add3A_137, %add3A_247] : memref<128x128xf32, #tpu.memory_space<vmem>>[vector<16xi32>, vector<16xi32>], vector<16xf32>,
    %swap3A_249 = arith.constant 11 : i32
    %swap3A_250 = arith.index_cast %swap3A_249 : i32 to index
    %swap3A_251 = arith.constant 0 : index
    %swap3A_252 = tpu.vector_load %arg8[%swap3A_250, %swap3A_251] {strides = array<i32>} : memref<16x128xf32, #tpu.memory_space<vmem>>, vector<16xf32>,
    tpu.vector_store %arg8[%swap3A_250, %swap3A_251], %gather3A_248 {strides = array<i32>} : memref<16x128xf32, #tpu.memory_space<vmem>>, vector<16xf32>,
    %add3A_253 = arith.constant 12 : i32
    %add3A_254 = arith.addi %mul3A_74, %add3A_253 : i32
    %add3A_255 = vector.broadcast %add3A_254 : i32 to vector<16xi32>
    %add3A_256 = arith.addi %mul3A_145, %add3A_255 : vector<16xi32>
    %gather3A_257 = tpu.vector_load_idx %arg7[%add3A_137, %add3A_256] : memref<128x128xf32, #tpu.memory_space<vmem>>[vector<16xi32>, vector<16xi32>], vector<16xf32>,
    %swap3A_258 = arith.constant 12 : i32
    %swap3A_259 = arith.index_cast %swap3A_258 : i32 to index
    %swap3A_260 = arith.constant 0 : index
    %swap3A_261 = tpu.vector_load %arg8[%swap3A_259, %swap3A_260] {strides = array<i32>} : memref<16x128xf32, #tpu.memory_space<vmem>>, vector<16xf32>,
    tpu.vector_store %arg8[%swap3A_259, %swap3A_260], %gather3A_257 {strides = array<i32>} : memref<16x128xf32, #tpu.memory_space<vmem>>, vector<16xf32>,
    %add3A_262 = arith.constant 13 : i32
    %add3A_263 = arith.addi %mul3A_74, %add3A_262 : i32
    %add3A_264 = vector.broadcast %add3A_263 : i32 to vector<16xi32>
    %add3A_265 = arith.addi %mul3A_145, %add3A_264 : vector<16xi32>
    %gather3A_266 = tpu.vector_load_idx %arg7[%add3A_137, %add3A_265] : memref<128x128xf32, #tpu.memory_space<vmem>>[vector<16xi32>, vector<16xi32>], vector<16xf32>,
    %swap3A_267 = arith.constant 13 : i32
    %swap3A_268 = arith.index_cast %swap3A_267 : i32 to index
    %swap3A_269 = arith.constant 0 : index
    %swap3A_270 = tpu.vector_load %arg8[%swap3A_268, %swap3A_269] {strides = array<i32>} : memref<16x128xf32, #tpu.memory_space<vmem>>, vector<16xf32>,
    tpu.vector_store %arg8[%swap3A_268, %swap3A_269], %gather3A_266 {strides = array<i32>} : memref<16x128xf32, #tpu.memory_space<vmem>>, vector<16xf32>,
    %add3A_271 = arith.constant 14 : i32
    %add3A_272 = arith.addi %mul3A_74, %add3A_271 : i32
    %add3A_273 = vector.broadcast %add3A_272 : i32 to vector<16xi32>
    %add3A_274 = arith.addi %mul3A_145, %add3A_273 : vector<16xi32>
    %gather3A_275 = tpu.vector_load_idx %arg7[%add3A_137, %add3A_274] : memref<128x128xf32, #tpu.memory_space<vmem>>[vector<16xi32>, vector<16xi32>], vector<16xf32>,
    %swap3A_276 = arith.constant 14 : i32
    %swap3A_277 = arith.index_cast %swap3A_276 : i32 to index
    %swap3A_278 = arith.constant 0 : index
    %swap3A_279 = tpu.vector_load %arg8[%swap3A_277, %swap3A_278] {strides = array<i32>} : memref<16x128xf32, #tpu.memory_space<vmem>>, vector<16xf32>,
    tpu.vector_store %arg8[%swap3A_277, %swap3A_278], %gather3A_275 {strides = array<i32>} : memref<16x128xf32, #tpu.memory_space<vmem>>, vector<16xf32>,
    %add3A_280 = arith.constant 15 : i32
    %add3A_281 = arith.addi %mul3A_74, %add3A_280 : i32
    %add3A_282 = vector.broadcast %add3A_281 : i32 to vector<16xi32>
    %add3A_283 = arith.addi %mul3A_145, %add3A_282 : vector<16xi32>
    %gather3A_284 = tpu.vector_load_idx %arg7[%add3A_137, %add3A_283] : memref<128x128xf32, #tpu.memory_space<vmem>>[vector<16xi32>, vector<16xi32>], vector<16xf32>,
    %swap3A_285 = arith.constant 15 : i32
    %swap3A_286 = arith.index_cast %swap3A_285 : i32 to index
    %swap3A_287 = arith.constant 0 : index
    %swap3A_288 = tpu.vector_load %arg8[%swap3A_286, %swap3A_287] {strides = array<i32>} : memref<16x128xf32, #tpu.memory_space<vmem>>, vector<16xf32>,
    tpu.vector_store %arg8[%swap3A_286, %swap3A_287], %gather3A_284 {strides = array<i32>} : memref<16x128xf32, #tpu.memory_space<vmem>>, vector<16xf32>,
    %add3A_289 = arith.constant 16 : i32
    %add3A_290 = vector.broadcast %add3A_289 : i32 to vector<16xi32>
    %add3A_291 = arith.addi %iota3A, %add3A_290 : vector<16xi32>
    %get3A_292 = arith.constant 16 : index
    %get3A_293 = tpu.vector_load %arg5[%get3A_292] {strides = array<i32>} : memref<128xi32, #tpu.memory_space<vmem>>, vector<16xi32>,
    %and3A_294 = arith.constant 1 : i32
    %and3A_295 = vector.broadcast %and3A_294 : i32 to vector<16xi32>
    %and3A_296 = arith.andi %get3A_293, %and3A_295 : vector<16xi32>
    %mul3A_297 = arith.constant 64 : i32
    %mul3A_298 = vector.broadcast %mul3A_297 : i32 to vector<16xi32>
    %mul3A_299 = arith.muli %and3A_296, %mul3A_298 : vector<16xi32>
    %add3A_300 = arith.constant 0 : i32
    %add3A_301 = arith.addi %mul3A_74, %add3A_300 : i32
    %add3A_302 = vector.broadcast %add3A_301 : i32 to vector<16xi32>
    %add3A_303 = arith.addi %mul3A_299, %add3A_302 : vector<16xi32>
    %gather3A_304 = tpu.vector_load_idx %arg7[%add3A_291, %add3A_303] : memref<128x128xf32, #tpu.memory_space<vmem>>[vector<16xi32>, vector<16xi32>], vector<16xf32>,
    %swap3A_305 = arith.constant 0 : i32
    %swap3A_306 = arith.index_cast %swap3A_305 : i32 to index
    %swap3A_307 = arith.constant 16 : index
    %swap3A_308 = tpu.vector_load %arg8[%swap3A_306, %swap3A_307] {strides = array<i32>} : memref<16x128xf32, #tpu.memory_space<vmem>>, vector<16xf32>,
    tpu.vector_store %arg8[%swap3A_306, %swap3A_307], %gather3A_304 {strides = array<i32>} : memref<16x128xf32, #tpu.memory_space<vmem>>, vector<16xf32>,
    %add3A_309 = arith.constant 1 : i32
    %add3A_310 = arith.addi %mul3A_74, %add3A_309 : i32
    %add3A_311 = vector.broadcast %add3A_310 : i32 to vector<16xi32>
    %add3A_312 = arith.addi %mul3A_299, %add3A_311 : vector<16xi32>
    %gather3A_313 = tpu.vector_load_idx %arg7[%add3A_291, %add3A_312] : memref<128x128xf32, #tpu.memory_space<vmem>>[vector<16xi32>, vector<16xi32>], vector<16xf32>,
    %swap3A_314 = arith.constant 1 : i32
    %swap3A_315 = arith.index_cast %swap3A_314 : i32 to index
    %swap3A_316 = arith.constant 16 : index
    %swap3A_317 = tpu.vector_load %arg8[%swap3A_315, %swap3A_316] {strides = array<i32>} : memref<16x128xf32, #tpu.memory_space<vmem>>, vector<16xf32>,
    tpu.vector_store %arg8[%swap3A_315, %swap3A_316], %gather3A_313 {strides = array<i32>} : memref<16x128xf32, #tpu.memory_space<vmem>>, vector<16xf32>,
    %add3A_318 = arith.constant 2 : i32
    %add3A_319 = arith.addi %mul3A_74, %add3A_318 : i32
    %add3A_320 = vector.broadcast %add3A_319 : i32 to vector<16xi32>
    %add3A_321 = arith.addi %mul3A_299, %add3A_320 : vector<16xi32>
    %gather3A_322 = tpu.vector_load_idx %arg7[%add3A_291, %add3A_321] : memref<128x128xf32, #tpu.memory_space<vmem>>[vector<16xi32>, vector<16xi32>], vector<16xf32>,
    %swap3A_323 = arith.constant 2 : i32
    %swap3A_324 = arith.index_cast %swap3A_323 : i32 to index
    %swap3A_325 = arith.constant 16 : index
    %swap3A_326 = tpu.vector_load %arg8[%swap3A_324, %swap3A_325] {strides = array<i32>} : memref<16x128xf32, #tpu.memory_space<vmem>>, vector<16xf32>,
    tpu.vector_store %arg8[%swap3A_324, %swap3A_325], %gather3A_322 {strides = array<i32>} : memref<16x128xf32, #tpu.memory_space<vmem>>, vector<16xf32>,
    %add3A_327 = arith.constant 3 : i32
    %add3A_328 = arith.addi %mul3A_74, %add3A_327 : i32
    %add3A_329 = vector.broadcast %add3A_328 : i32 to vector<16xi32>
    %add3A_330 = arith.addi %mul3A_299, %add3A_329 : vector<16xi32>
    %gather3A_331 = tpu.vector_load_idx %arg7[%add3A_291, %add3A_330] : memref<128x128xf32, #tpu.memory_space<vmem>>[vector<16xi32>, vector<16xi32>], vector<16xf32>,
    %swap3A_332 = arith.constant 3 : i32
    %swap3A_333 = arith.index_cast %swap3A_332 : i32 to index
    %swap3A_334 = arith.constant 16 : index
    %swap3A_335 = tpu.vector_load %arg8[%swap3A_333, %swap3A_334] {strides = array<i32>} : memref<16x128xf32, #tpu.memory_space<vmem>>, vector<16xf32>,
    tpu.vector_store %arg8[%swap3A_333, %swap3A_334], %gather3A_331 {strides = array<i32>} : memref<16x128xf32, #tpu.memory_space<vmem>>, vector<16xf32>,
    %add3A_336 = arith.constant 4 : i32
    %add3A_337 = arith.addi %mul3A_74, %add3A_336 : i32
    %add3A_338 = vector.broadcast %add3A_337 : i32 to vector<16xi32>
    %add3A_339 = arith.addi %mul3A_299, %add3A_338 : vector<16xi32>
    %gather3A_340 = tpu.vector_load_idx %arg7[%add3A_291, %add3A_339] : memref<128x128xf32, #tpu.memory_space<vmem>>[vector<16xi32>, vector<16xi32>], vector<16xf32>,
    %swap3A_341 = arith.constant 4 : i32
    %swap3A_342 = arith.index_cast %swap3A_341 : i32 to index
    %swap3A_343 = arith.constant 16 : index
    %swap3A_344 = tpu.vector_load %arg8[%swap3A_342, %swap3A_343] {strides = array<i32>} : memref<16x128xf32, #tpu.memory_space<vmem>>, vector<16xf32>,
    tpu.vector_store %arg8[%swap3A_342, %swap3A_343], %gather3A_340 {strides = array<i32>} : memref<16x128xf32, #tpu.memory_space<vmem>>, vector<16xf32>,
    %add3A_345 = arith.constant 5 : i32
    %add3A_346 = arith.addi %mul3A_74, %add3A_345 : i32
    %add3A_347 = vector.broadcast %add3A_346 : i32 to vector<16xi32>
    %add3A_348 = arith.addi %mul3A_299, %add3A_347 : vector<16xi32>
    %gather3A_349 = tpu.vector_load_idx %arg7[%add3A_291, %add3A_348] : memref<128x128xf32, #tpu.memory_space<vmem>>[vector<16xi32>, vector<16xi32>], vector<16xf32>,
    %swap3A_350 = arith.constant 5 : i32
    %swap3A_351 = arith.index_cast %swap3A_350 : i32 to index
    %swap3A_352 = arith.constant 16 : index
    %swap3A_353 = tpu.vector_load %arg8[%swap3A_351, %swap3A_352] {strides = array<i32>} : memref<16x128xf32, #tpu.memory_space<vmem>>, vector<16xf32>,
    tpu.vector_store %arg8[%swap3A_351, %swap3A_352], %gather3A_349 {strides = array<i32>} : memref<16x128xf32, #tpu.memory_space<vmem>>, vector<16xf32>,
    %add3A_354 = arith.constant 6 : i32
    %add3A_355 = arith.addi %mul3A_74, %add3A_354 : i32
    %add3A_356 = vector.broadcast %add3A_355 : i32 to vector<16xi32>
    %add3A_357 = arith.addi %mul3A_299, %add3A_356 : vector<16xi32>
    %gather3A_358 = tpu.vector_load_idx %arg7[%add3A_291, %add3A_357] : memref<128x128xf32, #tpu.memory_space<vmem>>[vector<16xi32>, vector<16xi32>], vector<16xf32>,
    %swap3A_359 = arith.constant 6 : i32
    %swap3A_360 = arith.index_cast %swap3A_359 : i32 to index
    %swap3A_361 = arith.constant 16 : index
    %swap3A_362 = tpu.vector_load %arg8[%swap3A_360, %swap3A_361] {strides = array<i32>} : memref<16x128xf32, #tpu.memory_space<vmem>>, vector<16xf32>,
    tpu.vector_store %arg8[%swap3A_360, %swap3A_361], %gather3A_358 {strides = array<i32>} : memref<16x128xf32, #tpu.memory_space<vmem>>, vector<16xf32>,
    %add3A_363 = arith.constant 7 : i32
    %add3A_364 = arith.addi %mul3A_74, %add3A_363 : i32
    %add3A_365 = vector.broadcast %add3A_364 : i32 to vector<16xi32>
    %add3A_366 = arith.addi %mul3A_299, %add3A_365 : vector<16xi32>
    %gather3A_367 = tpu.vector_load_idx %arg7[%add3A_291, %add3A_366] : memref<128x128xf32, #tpu.memory_space<vmem>>[vector<16xi32>, vector<16xi32>], vector<16xf32>,
    %swap3A_368 = arith.constant 7 : i32
    %swap3A_369 = arith.index_cast %swap3A_368 : i32 to index
    %swap3A_370 = arith.constant 16 : index
    %swap3A_371 = tpu.vector_load %arg8[%swap3A_369, %swap3A_370] {strides = array<i32>} : memref<16x128xf32, #tpu.memory_space<vmem>>, vector<16xf32>,
    tpu.vector_store %arg8[%swap3A_369, %swap3A_370], %gather3A_367 {strides = array<i32>} : memref<16x128xf32, #tpu.memory_space<vmem>>, vector<16xf32>,
    %add3A_372 = arith.constant 8 : i32
    %add3A_373 = arith.addi %mul3A_74, %add3A_372 : i32
    %add3A_374 = vector.broadcast %add3A_373 : i32 to vector<16xi32>
    %add3A_375 = arith.addi %mul3A_299, %add3A_374 : vector<16xi32>
    %gather3A_376 = tpu.vector_load_idx %arg7[%add3A_291, %add3A_375] : memref<128x128xf32, #tpu.memory_space<vmem>>[vector<16xi32>, vector<16xi32>], vector<16xf32>,
    %swap3A_377 = arith.constant 8 : i32
    %swap3A_378 = arith.index_cast %swap3A_377 : i32 to index
    %swap3A_379 = arith.constant 16 : index
    %swap3A_380 = tpu.vector_load %arg8[%swap3A_378, %swap3A_379] {strides = array<i32>} : memref<16x128xf32, #tpu.memory_space<vmem>>, vector<16xf32>,
    tpu.vector_store %arg8[%swap3A_378, %swap3A_379], %gather3A_376 {strides = array<i32>} : memref<16x128xf32, #tpu.memory_space<vmem>>, vector<16xf32>,
    %add3A_381 = arith.constant 9 : i32
    %add3A_382 = arith.addi %mul3A_74, %add3A_381 : i32
    %add3A_383 = vector.broadcast %add3A_382 : i32 to vector<16xi32>
    %add3A_384 = arith.addi %mul3A_299, %add3A_383 : vector<16xi32>
    %gather3A_385 = tpu.vector_load_idx %arg7[%add3A_291, %add3A_384] : memref<128x128xf32, #tpu.memory_space<vmem>>[vector<16xi32>, vector<16xi32>], vector<16xf32>,
    %swap3A_386 = arith.constant 9 : i32
    %swap3A_387 = arith.index_cast %swap3A_386 : i32 to index
    %swap3A_388 = arith.constant 16 : index
    %swap3A_389 = tpu.vector_load %arg8[%swap3A_387, %swap3A_388] {strides = array<i32>} : memref<16x128xf32, #tpu.memory_space<vmem>>, vector<16xf32>,
    tpu.vector_store %arg8[%swap3A_387, %swap3A_388], %gather3A_385 {strides = array<i32>} : memref<16x128xf32, #tpu.memory_space<vmem>>, vector<16xf32>,
    %add3A_390 = arith.constant 10 : i32
    %add3A_391 = arith.addi %mul3A_74, %add3A_390 : i32
    %add3A_392 = vector.broadcast %add3A_391 : i32 to vector<16xi32>
    %add3A_393 = arith.addi %mul3A_299, %add3A_392 : vector<16xi32>
    %gather3A_394 = tpu.vector_load_idx %arg7[%add3A_291, %add3A_393] : memref<128x128xf32, #tpu.memory_space<vmem>>[vector<16xi32>, vector<16xi32>], vector<16xf32>,
    %swap3A_395 = arith.constant 10 : i32
    %swap3A_396 = arith.index_cast %swap3A_395 : i32 to index
    %swap3A_397 = arith.constant 16 : index
    %swap3A_398 = tpu.vector_load %arg8[%swap3A_396, %swap3A_397] {strides = array<i32>} : memref<16x128xf32, #tpu.memory_space<vmem>>, vector<16xf32>,
    tpu.vector_store %arg8[%swap3A_396, %swap3A_397], %gather3A_394 {strides = array<i32>} : memref<16x128xf32, #tpu.memory_space<vmem>>, vector<16xf32>,
    %add3A_399 = arith.constant 11 : i32
    %add3A_400 = arith.addi %mul3A_74, %add3A_399 : i32
    %add3A_401 = vector.broadcast %add3A_400 : i32 to vector<16xi32>
    %add3A_402 = arith.addi %mul3A_299, %add3A_401 : vector<16xi32>
    %gather3A_403 = tpu.vector_load_idx %arg7[%add3A_291, %add3A_402] : memref<128x128xf32, #tpu.memory_space<vmem>>[vector<16xi32>, vector<16xi32>], vector<16xf32>,
    %swap3A_404 = arith.constant 11 : i32
    %swap3A_405 = arith.index_cast %swap3A_404 : i32 to index
    %swap3A_406 = arith.constant 16 : index
    %swap3A_407 = tpu.vector_load %arg8[%swap3A_405, %swap3A_406] {strides = array<i32>} : memref<16x128xf32, #tpu.memory_space<vmem>>, vector<16xf32>,
    tpu.vector_store %arg8[%swap3A_405, %swap3A_406], %gather3A_403 {strides = array<i32>} : memref<16x128xf32, #tpu.memory_space<vmem>>, vector<16xf32>,
    %add3A_408 = arith.constant 12 : i32
    %add3A_409 = arith.addi %mul3A_74, %add3A_408 : i32
    %add3A_410 = vector.broadcast %add3A_409 : i32 to vector<16xi32>
    %add3A_411 = arith.addi %mul3A_299, %add3A_410 : vector<16xi32>
    %gather3A_412 = tpu.vector_load_idx %arg7[%add3A_291, %add3A_411] : memref<128x128xf32, #tpu.memory_space<vmem>>[vector<16xi32>, vector<16xi32>], vector<16xf32>,
    %swap3A_413 = arith.constant 12 : i32
    %swap3A_414 = arith.index_cast %swap3A_413 : i32 to index
    %swap3A_415 = arith.constant 16 : index
    %swap3A_416 = tpu.vector_load %arg8[%swap3A_414, %swap3A_415] {strides = array<i32>} : memref<16x128xf32, #tpu.memory_space<vmem>>, vector<16xf32>,
    tpu.vector_store %arg8[%swap3A_414, %swap3A_415], %gather3A_412 {strides = array<i32>} : memref<16x128xf32, #tpu.memory_space<vmem>>, vector<16xf32>,
    %add3A_417 = arith.constant 13 : i32
    %add3A_418 = arith.addi %mul3A_74, %add3A_417 : i32
    %add3A_419 = vector.broadcast %add3A_418 : i32 to vector<16xi32>
    %add3A_420 = arith.addi %mul3A_299, %add3A_419 : vector<16xi32>
    %gather3A_421 = tpu.vector_load_idx %arg7[%add3A_291, %add3A_420] : memref<128x128xf32, #tpu.memory_space<vmem>>[vector<16xi32>, vector<16xi32>], vector<16xf32>,
    %swap3A_422 = arith.constant 13 : i32
    %swap3A_423 = arith.index_cast %swap3A_422 : i32 to index
    %swap3A_424 = arith.constant 16 : index
    %swap3A_425 = tpu.vector_load %arg8[%swap3A_423, %swap3A_424] {strides = array<i32>} : memref<16x128xf32, #tpu.memory_space<vmem>>, vector<16xf32>,
    tpu.vector_store %arg8[%swap3A_423, %swap3A_424], %gather3A_421 {strides = array<i32>} : memref<16x128xf32, #tpu.memory_space<vmem>>, vector<16xf32>,
    %add3A_426 = arith.constant 14 : i32
    %add3A_427 = arith.addi %mul3A_74, %add3A_426 : i32
    %add3A_428 = vector.broadcast %add3A_427 : i32 to vector<16xi32>
    %add3A_429 = arith.addi %mul3A_299, %add3A_428 : vector<16xi32>
    %gather3A_430 = tpu.vector_load_idx %arg7[%add3A_291, %add3A_429] : memref<128x128xf32, #tpu.memory_space<vmem>>[vector<16xi32>, vector<16xi32>], vector<16xf32>,
    %swap3A_431 = arith.constant 14 : i32
    %swap3A_432 = arith.index_cast %swap3A_431 : i32 to index
    %swap3A_433 = arith.constant 16 : index
    %swap3A_434 = tpu.vector_load %arg8[%swap3A_432, %swap3A_433] {strides = array<i32>} : memref<16x128xf32, #tpu.memory_space<vmem>>, vector<16xf32>,
    tpu.vector_store %arg8[%swap3A_432, %swap3A_433], %gather3A_430 {strides = array<i32>} : memref<16x128xf32, #tpu.memory_space<vmem>>, vector<16xf32>,
    %add3A_435 = arith.constant 15 : i32
    %add3A_436 = arith.addi %mul3A_74, %add3A_435 : i32
    %add3A_437 = vector.broadcast %add3A_436 : i32 to vector<16xi32>
    %add3A_438 = arith.addi %mul3A_299, %add3A_437 : vector<16xi32>
    %gather3A_439 = tpu.vector_load_idx %arg7[%add3A_291, %add3A_438] : memref<128x128xf32, #tpu.memory_space<vmem>>[vector<16xi32>, vector<16xi32>], vector<16xf32>,
    %swap3A_440 = arith.constant 15 : i32
    %swap3A_441 = arith.index_cast %swap3A_440 : i32 to index
    %swap3A_442 = arith.constant 16 : index
    %swap3A_443 = tpu.vector_load %arg8[%swap3A_441, %swap3A_442] {strides = array<i32>} : memref<16x128xf32, #tpu.memory_space<vmem>>, vector<16xf32>,
    tpu.vector_store %arg8[%swap3A_441, %swap3A_442], %gather3A_439 {strides = array<i32>} : memref<16x128xf32, #tpu.memory_space<vmem>>, vector<16xf32>,
    %add3A_444 = arith.constant 32 : i32
    %add3A_445 = vector.broadcast %add3A_444 : i32 to vector<16xi32>
    %add3A_446 = arith.addi %iota3A, %add3A_445 : vector<16xi32>
    %get3A_447 = arith.constant 32 : index
    %get3A_448 = tpu.vector_load %arg5[%get3A_447] {strides = array<i32>} : memref<128xi32, #tpu.memory_space<vmem>>, vector<16xi32>,
    %and3A_449 = arith.constant 1 : i32
    %and3A_450 = vector.broadcast %and3A_449 : i32 to vector<16xi32>
    %and3A_451 = arith.andi %get3A_448, %and3A_450 : vector<16xi32>
    %mul3A_452 = arith.constant 64 : i32
    %mul3A_453 = vector.broadcast %mul3A_452 : i32 to vector<16xi32>
    %mul3A_454 = arith.muli %and3A_451, %mul3A_453 : vector<16xi32>
    %add3A_455 = arith.constant 0 : i32
    %add3A_456 = arith.addi %mul3A_74, %add3A_455 : i32
    %add3A_457 = vector.broadcast %add3A_456 : i32 to vector<16xi32>
    %add3A_458 = arith.addi %mul3A_454, %add3A_457 : vector<16xi32>
    %gather3A_459 = tpu.vector_load_idx %arg7[%add3A_446, %add3A_458] : memref<128x128xf32, #tpu.memory_space<vmem>>[vector<16xi32>, vector<16xi32>], vector<16xf32>,
    %swap3A_460 = arith.constant 0 : i32
    %swap3A_461 = arith.index_cast %swap3A_460 : i32 to index
    %swap3A_462 = arith.constant 32 : index
    %swap3A_463 = tpu.vector_load %arg8[%swap3A_461, %swap3A_462] {strides = array<i32>} : memref<16x128xf32, #tpu.memory_space<vmem>>, vector<16xf32>,
    tpu.vector_store %arg8[%swap3A_461, %swap3A_462], %gather3A_459 {strides = array<i32>} : memref<16x128xf32, #tpu.memory_space<vmem>>, vector<16xf32>,
    %add3A_464 = arith.constant 1 : i32
    %add3A_465 = arith.addi %mul3A_74, %add3A_464 : i32
    %add3A_466 = vector.broadcast %add3A_465 : i32 to vector<16xi32>
    %add3A_467 = arith.addi %mul3A_454, %add3A_466 : vector<16xi32>
    %gather3A_468 = tpu.vector_load_idx %arg7[%add3A_446, %add3A_467] : memref<128x128xf32, #tpu.memory_space<vmem>>[vector<16xi32>, vector<16xi32>], vector<16xf32>,
    %swap3A_469 = arith.constant 1 : i32
    %swap3A_470 = arith.index_cast %swap3A_469 : i32 to index
    %swap3A_471 = arith.constant 32 : index
    %swap3A_472 = tpu.vector_load %arg8[%swap3A_470, %swap3A_471] {strides = array<i32>} : memref<16x128xf32, #tpu.memory_space<vmem>>, vector<16xf32>,
    tpu.vector_store %arg8[%swap3A_470, %swap3A_471], %gather3A_468 {strides = array<i32>} : memref<16x128xf32, #tpu.memory_space<vmem>>, vector<16xf32>,
    %add3A_473 = arith.constant 2 : i32
    %add3A_474 = arith.addi %mul3A_74, %add3A_473 : i32
    %add3A_475 = vector.broadcast %add3A_474 : i32 to vector<16xi32>
    %add3A_476 = arith.addi %mul3A_454, %add3A_475 : vector<16xi32>
    %gather3A_477 = tpu.vector_load_idx %arg7[%add3A_446, %add3A_476] : memref<128x128xf32, #tpu.memory_space<vmem>>[vector<16xi32>, vector<16xi32>], vector<16xf32>,
    %swap3A_478 = arith.constant 2 : i32
    %swap3A_479 = arith.index_cast %swap3A_478 : i32 to index
    %swap3A_480 = arith.constant 32 : index
    %swap3A_481 = tpu.vector_load %arg8[%swap3A_479, %swap3A_480] {strides = array<i32>} : memref<16x128xf32, #tpu.memory_space<vmem>>, vector<16xf32>,
    tpu.vector_store %arg8[%swap3A_479, %swap3A_480], %gather3A_477 {strides = array<i32>} : memref<16x128xf32, #tpu.memory_space<vmem>>, vector<16xf32>,
    %add3A_482 = arith.constant 3 : i32
    %add3A_483 = arith.addi %mul3A_74, %add3A_482 : i32
    %add3A_484 = vector.broadcast %add3A_483 : i32 to vector<16xi32>
    %add3A_485 = arith.addi %mul3A_454, %add3A_484 : vector<16xi32>
    %gather3A_486 = tpu.vector_load_idx %arg7[%add3A_446, %add3A_485] : memref<128x128xf32, #tpu.memory_space<vmem>>[vector<16xi32>, vector<16xi32>], vector<16xf32>,
    %swap3A_487 = arith.constant 3 : i32
    %swap3A_488 = arith.index_cast %swap3A_487 : i32 to index
    %swap3A_489 = arith.constant 32 : index
    %swap3A_490 = tpu.vector_load %arg8[%swap3A_488, %swap3A_489] {strides = array<i32>} : memref<16x128xf32, #tpu.memory_space<vmem>>, vector<16xf32>,
    tpu.vector_store %arg8[%swap3A_488, %swap3A_489], %gather3A_486 {strides = array<i32>} : memref<16x128xf32, #tpu.memory_space<vmem>>, vector<16xf32>,
    %add3A_491 = arith.constant 4 : i32
    %add3A_492 = arith.addi %mul3A_74, %add3A_491 : i32
    %add3A_493 = vector.broadcast %add3A_492 : i32 to vector<16xi32>
    %add3A_494 = arith.addi %mul3A_454, %add3A_493 : vector<16xi32>
    %gather3A_495 = tpu.vector_load_idx %arg7[%add3A_446, %add3A_494] : memref<128x128xf32, #tpu.memory_space<vmem>>[vector<16xi32>, vector<16xi32>], vector<16xf32>,
    %swap3A_496 = arith.constant 4 : i32
    %swap3A_497 = arith.index_cast %swap3A_496 : i32 to index
    %swap3A_498 = arith.constant 32 : index
    %swap3A_499 = tpu.vector_load %arg8[%swap3A_497, %swap3A_498] {strides = array<i32>} : memref<16x128xf32, #tpu.memory_space<vmem>>, vector<16xf32>,
    tpu.vector_store %arg8[%swap3A_497, %swap3A_498], %gather3A_495 {strides = array<i32>} : memref<16x128xf32, #tpu.memory_space<vmem>>, vector<16xf32>,
    %add3A_500 = arith.constant 5 : i32
    %add3A_501 = arith.addi %mul3A_74, %add3A_500 : i32
    %add3A_502 = vector.broadcast %add3A_501 : i32 to vector<16xi32>
    %add3A_503 = arith.addi %mul3A_454, %add3A_502 : vector<16xi32>
    %gather3A_504 = tpu.vector_load_idx %arg7[%add3A_446, %add3A_503] : memref<128x128xf32, #tpu.memory_space<vmem>>[vector<16xi32>, vector<16xi32>], vector<16xf32>,
    %swap3A_505 = arith.constant 5 : i32
    %swap3A_506 = arith.index_cast %swap3A_505 : i32 to index
    %swap3A_507 = arith.constant 32 : index
    %swap3A_508 = tpu.vector_load %arg8[%swap3A_506, %swap3A_507] {strides = array<i32>} : memref<16x128xf32, #tpu.memory_space<vmem>>, vector<16xf32>,
    tpu.vector_store %arg8[%swap3A_506, %swap3A_507], %gather3A_504 {strides = array<i32>} : memref<16x128xf32, #tpu.memory_space<vmem>>, vector<16xf32>,
    %add3A_509 = arith.constant 6 : i32
    %add3A_510 = arith.addi %mul3A_74, %add3A_509 : i32
    %add3A_511 = vector.broadcast %add3A_510 : i32 to vector<16xi32>
    %add3A_512 = arith.addi %mul3A_454, %add3A_511 : vector<16xi32>
    %gather3A_513 = tpu.vector_load_idx %arg7[%add3A_446, %add3A_512] : memref<128x128xf32, #tpu.memory_space<vmem>>[vector<16xi32>, vector<16xi32>], vector<16xf32>,
    %swap3A_514 = arith.constant 6 : i32
    %swap3A_515 = arith.index_cast %swap3A_514 : i32 to index
    %swap3A_516 = arith.constant 32 : index
    %swap3A_517 = tpu.vector_load %arg8[%swap3A_515, %swap3A_516] {strides = array<i32>} : memref<16x128xf32, #tpu.memory_space<vmem>>, vector<16xf32>,
    tpu.vector_store %arg8[%swap3A_515, %swap3A_516], %gather3A_513 {strides = array<i32>} : memref<16x128xf32, #tpu.memory_space<vmem>>, vector<16xf32>,
    %add3A_518 = arith.constant 7 : i32
    %add3A_519 = arith.addi %mul3A_74, %add3A_518 : i32
    %add3A_520 = vector.broadcast %add3A_519 : i32 to vector<16xi32>
    %add3A_521 = arith.addi %mul3A_454, %add3A_520 : vector<16xi32>
    %gather3A_522 = tpu.vector_load_idx %arg7[%add3A_446, %add3A_521] : memref<128x128xf32, #tpu.memory_space<vmem>>[vector<16xi32>, vector<16xi32>], vector<16xf32>,
    %swap3A_523 = arith.constant 7 : i32
    %swap3A_524 = arith.index_cast %swap3A_523 : i32 to index
    %swap3A_525 = arith.constant 32 : index
    %swap3A_526 = tpu.vector_load %arg8[%swap3A_524, %swap3A_525] {strides = array<i32>} : memref<16x128xf32, #tpu.memory_space<vmem>>, vector<16xf32>,
    tpu.vector_store %arg8[%swap3A_524, %swap3A_525], %gather3A_522 {strides = array<i32>} : memref<16x128xf32, #tpu.memory_space<vmem>>, vector<16xf32>,
    %add3A_527 = arith.constant 8 : i32
    %add3A_528 = arith.addi %mul3A_74, %add3A_527 : i32
    %add3A_529 = vector.broadcast %add3A_528 : i32 to vector<16xi32>
    %add3A_530 = arith.addi %mul3A_454, %add3A_529 : vector<16xi32>
    %gather3A_531 = tpu.vector_load_idx %arg7[%add3A_446, %add3A_530] : memref<128x128xf32, #tpu.memory_space<vmem>>[vector<16xi32>, vector<16xi32>], vector<16xf32>,
    %swap3A_532 = arith.constant 8 : i32
    %swap3A_533 = arith.index_cast %swap3A_532 : i32 to index
    %swap3A_534 = arith.constant 32 : index
    %swap3A_535 = tpu.vector_load %arg8[%swap3A_533, %swap3A_534] {strides = array<i32>} : memref<16x128xf32, #tpu.memory_space<vmem>>, vector<16xf32>,
    tpu.vector_store %arg8[%swap3A_533, %swap3A_534], %gather3A_531 {strides = array<i32>} : memref<16x128xf32, #tpu.memory_space<vmem>>, vector<16xf32>,
    %add3A_536 = arith.constant 9 : i32
    %add3A_537 = arith.addi %mul3A_74, %add3A_536 : i32
    %add3A_538 = vector.broadcast %add3A_537 : i32 to vector<16xi32>
    %add3A_539 = arith.addi %mul3A_454, %add3A_538 : vector<16xi32>
    %gather3A_540 = tpu.vector_load_idx %arg7[%add3A_446, %add3A_539] : memref<128x128xf32, #tpu.memory_space<vmem>>[vector<16xi32>, vector<16xi32>], vector<16xf32>,
    %swap3A_541 = arith.constant 9 : i32
    %swap3A_542 = arith.index_cast %swap3A_541 : i32 to index
    %swap3A_543 = arith.constant 32 : index
    %swap3A_544 = tpu.vector_load %arg8[%swap3A_542, %swap3A_543] {strides = array<i32>} : memref<16x128xf32, #tpu.memory_space<vmem>>, vector<16xf32>,
    tpu.vector_store %arg8[%swap3A_542, %swap3A_543], %gather3A_540 {strides = array<i32>} : memref<16x128xf32, #tpu.memory_space<vmem>>, vector<16xf32>,
    %add3A_545 = arith.constant 10 : i32
    %add3A_546 = arith.addi %mul3A_74, %add3A_545 : i32
    %add3A_547 = vector.broadcast %add3A_546 : i32 to vector<16xi32>
    %add3A_548 = arith.addi %mul3A_454, %add3A_547 : vector<16xi32>
    %gather3A_549 = tpu.vector_load_idx %arg7[%add3A_446, %add3A_548] : memref<128x128xf32, #tpu.memory_space<vmem>>[vector<16xi32>, vector<16xi32>], vector<16xf32>,
    %swap3A_550 = arith.constant 10 : i32
    %swap3A_551 = arith.index_cast %swap3A_550 : i32 to index
    %swap3A_552 = arith.constant 32 : index
    %swap3A_553 = tpu.vector_load %arg8[%swap3A_551, %swap3A_552] {strides = array<i32>} : memref<16x128xf32, #tpu.memory_space<vmem>>, vector<16xf32>,
    tpu.vector_store %arg8[%swap3A_551, %swap3A_552], %gather3A_549 {strides = array<i32>} : memref<16x128xf32, #tpu.memory_space<vmem>>, vector<16xf32>,
    %add3A_554 = arith.constant 11 : i32
    %add3A_555 = arith.addi %mul3A_74, %add3A_554 : i32
    %add3A_556 = vector.broadcast %add3A_555 : i32 to vector<16xi32>
    %add3A_557 = arith.addi %mul3A_454, %add3A_556 : vector<16xi32>
    %gather3A_558 = tpu.vector_load_idx %arg7[%add3A_446, %add3A_557] : memref<128x128xf32, #tpu.memory_space<vmem>>[vector<16xi32>, vector<16xi32>], vector<16xf32>,
    %swap3A_559 = arith.constant 11 : i32
    %swap3A_560 = arith.index_cast %swap3A_559 : i32 to index
    %swap3A_561 = arith.constant 32 : index
    %swap3A_562 = tpu.vector_load %arg8[%swap3A_560, %swap3A_561] {strides = array<i32>} : memref<16x128xf32, #tpu.memory_space<vmem>>, vector<16xf32>,
    tpu.vector_store %arg8[%swap3A_560, %swap3A_561], %gather3A_558 {strides = array<i32>} : memref<16x128xf32, #tpu.memory_space<vmem>>, vector<16xf32>,
    %add3A_563 = arith.constant 12 : i32
    %add3A_564 = arith.addi %mul3A_74, %add3A_563 : i32
    %add3A_565 = vector.broadcast %add3A_564 : i32 to vector<16xi32>
    %add3A_566 = arith.addi %mul3A_454, %add3A_565 : vector<16xi32>
    %gather3A_567 = tpu.vector_load_idx %arg7[%add3A_446, %add3A_566] : memref<128x128xf32, #tpu.memory_space<vmem>>[vector<16xi32>, vector<16xi32>], vector<16xf32>,
    %swap3A_568 = arith.constant 12 : i32
    %swap3A_569 = arith.index_cast %swap3A_568 : i32 to index
    %swap3A_570 = arith.constant 32 : index
    %swap3A_571 = tpu.vector_load %arg8[%swap3A_569, %swap3A_570] {strides = array<i32>} : memref<16x128xf32, #tpu.memory_space<vmem>>, vector<16xf32>,
    tpu.vector_store %arg8[%swap3A_569, %swap3A_570], %gather3A_567 {strides = array<i32>} : memref<16x128xf32, #tpu.memory_space<vmem>>, vector<16xf32>,
    %add3A_572 = arith.constant 13 : i32
    %add3A_573 = arith.addi %mul3A_74, %add3A_572 : i32
    %add3A_574 = vector.broadcast %add3A_573 : i32 to vector<16xi32>
    %add3A_575 = arith.addi %mul3A_454, %add3A_574 : vector<16xi32>
    %gather3A_576 = tpu.vector_load_idx %arg7[%add3A_446, %add3A_575] : memref<128x128xf32, #tpu.memory_space<vmem>>[vector<16xi32>, vector<16xi32>], vector<16xf32>,
    %swap3A_577 = arith.constant 13 : i32
    %swap3A_578 = arith.index_cast %swap3A_577 : i32 to index
    %swap3A_579 = arith.constant 32 : index
    %swap3A_580 = tpu.vector_load %arg8[%swap3A_578, %swap3A_579] {strides = array<i32>} : memref<16x128xf32, #tpu.memory_space<vmem>>, vector<16xf32>,
    tpu.vector_store %arg8[%swap3A_578, %swap3A_579], %gather3A_576 {strides = array<i32>} : memref<16x128xf32, #tpu.memory_space<vmem>>, vector<16xf32>,
    %add3A_581 = arith.constant 14 : i32
    %add3A_582 = arith.addi %mul3A_74, %add3A_581 : i32
    %add3A_583 = vector.broadcast %add3A_582 : i32 to vector<16xi32>
    %add3A_584 = arith.addi %mul3A_454, %add3A_583 : vector<16xi32>
    %gather3A_585 = tpu.vector_load_idx %arg7[%add3A_446, %add3A_584] : memref<128x128xf32, #tpu.memory_space<vmem>>[vector<16xi32>, vector<16xi32>], vector<16xf32>,
    %swap3A_586 = arith.constant 14 : i32
    %swap3A_587 = arith.index_cast %swap3A_586 : i32 to index
    %swap3A_588 = arith.constant 32 : index
    %swap3A_589 = tpu.vector_load %arg8[%swap3A_587, %swap3A_588] {strides = array<i32>} : memref<16x128xf32, #tpu.memory_space<vmem>>, vector<16xf32>,
    tpu.vector_store %arg8[%swap3A_587, %swap3A_588], %gather3A_585 {strides = array<i32>} : memref<16x128xf32, #tpu.memory_space<vmem>>, vector<16xf32>,
    %add3A_590 = arith.constant 15 : i32
    %add3A_591 = arith.addi %mul3A_74, %add3A_590 : i32
    %add3A_592 = vector.broadcast %add3A_591 : i32 to vector<16xi32>
    %add3A_593 = arith.addi %mul3A_454, %add3A_592 : vector<16xi32>
    %gather3A_594 = tpu.vector_load_idx %arg7[%add3A_446, %add3A_593] : memref<128x128xf32, #tpu.memory_space<vmem>>[vector<16xi32>, vector<16xi32>], vector<16xf32>,
    %swap3A_595 = arith.constant 15 : i32
    %swap3A_596 = arith.index_cast %swap3A_595 : i32 to index
    %swap3A_597 = arith.constant 32 : index
    %swap3A_598 = tpu.vector_load %arg8[%swap3A_596, %swap3A_597] {strides = array<i32>} : memref<16x128xf32, #tpu.memory_space<vmem>>, vector<16xf32>,
    tpu.vector_store %arg8[%swap3A_596, %swap3A_597], %gather3A_594 {strides = array<i32>} : memref<16x128xf32, #tpu.memory_space<vmem>>, vector<16xf32>,
    %add3A_599 = arith.constant 48 : i32
    %add3A_600 = vector.broadcast %add3A_599 : i32 to vector<16xi32>
    %add3A_601 = arith.addi %iota3A, %add3A_600 : vector<16xi32>
    %get3A_602 = arith.constant 48 : index
    %get3A_603 = tpu.vector_load %arg5[%get3A_602] {strides = array<i32>} : memref<128xi32, #tpu.memory_space<vmem>>, vector<16xi32>,
    %and3A_604 = arith.constant 1 : i32
    %and3A_605 = vector.broadcast %and3A_604 : i32 to vector<16xi32>
    %and3A_606 = arith.andi %get3A_603, %and3A_605 : vector<16xi32>
    %mul3A_607 = arith.constant 64 : i32
    %mul3A_608 = vector.broadcast %mul3A_607 : i32 to vector<16xi32>
    %mul3A_609 = arith.muli %and3A_606, %mul3A_608 : vector<16xi32>
    %add3A_610 = arith.constant 0 : i32
    %add3A_611 = arith.addi %mul3A_74, %add3A_610 : i32
    %add3A_612 = vector.broadcast %add3A_611 : i32 to vector<16xi32>
    %add3A_613 = arith.addi %mul3A_609, %add3A_612 : vector<16xi32>
    %gather3A_614 = tpu.vector_load_idx %arg7[%add3A_601, %add3A_613] : memref<128x128xf32, #tpu.memory_space<vmem>>[vector<16xi32>, vector<16xi32>], vector<16xf32>,
    %swap3A_615 = arith.constant 0 : i32
    %swap3A_616 = arith.index_cast %swap3A_615 : i32 to index
    %swap3A_617 = arith.constant 48 : index
    %swap3A_618 = tpu.vector_load %arg8[%swap3A_616, %swap3A_617] {strides = array<i32>} : memref<16x128xf32, #tpu.memory_space<vmem>>, vector<16xf32>,
    tpu.vector_store %arg8[%swap3A_616, %swap3A_617], %gather3A_614 {strides = array<i32>} : memref<16x128xf32, #tpu.memory_space<vmem>>, vector<16xf32>,
    %add3A_619 = arith.constant 1 : i32
    %add3A_620 = arith.addi %mul3A_74, %add3A_619 : i32
    %add3A_621 = vector.broadcast %add3A_620 : i32 to vector<16xi32>
    %add3A_622 = arith.addi %mul3A_609, %add3A_621 : vector<16xi32>
    %gather3A_623 = tpu.vector_load_idx %arg7[%add3A_601, %add3A_622] : memref<128x128xf32, #tpu.memory_space<vmem>>[vector<16xi32>, vector<16xi32>], vector<16xf32>,
    %swap3A_624 = arith.constant 1 : i32
    %swap3A_625 = arith.index_cast %swap3A_624 : i32 to index
    %swap3A_626 = arith.constant 48 : index
    %swap3A_627 = tpu.vector_load %arg8[%swap3A_625, %swap3A_626] {strides = array<i32>} : memref<16x128xf32, #tpu.memory_space<vmem>>, vector<16xf32>,
    tpu.vector_store %arg8[%swap3A_625, %swap3A_626], %gather3A_623 {strides = array<i32>} : memref<16x128xf32, #tpu.memory_space<vmem>>, vector<16xf32>,
    %add3A_628 = arith.constant 2 : i32
    %add3A_629 = arith.addi %mul3A_74, %add3A_628 : i32
    %add3A_630 = vector.broadcast %add3A_629 : i32 to vector<16xi32>
    %add3A_631 = arith.addi %mul3A_609, %add3A_630 : vector<16xi32>
    %gather3A_632 = tpu.vector_load_idx %arg7[%add3A_601, %add3A_631] : memref<128x128xf32, #tpu.memory_space<vmem>>[vector<16xi32>, vector<16xi32>], vector<16xf32>,
    %swap3A_633 = arith.constant 2 : i32
    %swap3A_634 = arith.index_cast %swap3A_633 : i32 to index
    %swap3A_635 = arith.constant 48 : index
    %swap3A_636 = tpu.vector_load %arg8[%swap3A_634, %swap3A_635] {strides = array<i32>} : memref<16x128xf32, #tpu.memory_space<vmem>>, vector<16xf32>,
    tpu.vector_store %arg8[%swap3A_634, %swap3A_635], %gather3A_632 {strides = array<i32>} : memref<16x128xf32, #tpu.memory_space<vmem>>, vector<16xf32>,
    %add3A_637 = arith.constant 3 : i32
    %add3A_638 = arith.addi %mul3A_74, %add3A_637 : i32
    %add3A_639 = vector.broadcast %add3A_638 : i32 to vector<16xi32>
    %add3A_640 = arith.addi %mul3A_609, %add3A_639 : vector<16xi32>
    %gather3A_641 = tpu.vector_load_idx %arg7[%add3A_601, %add3A_640] : memref<128x128xf32, #tpu.memory_space<vmem>>[vector<16xi32>, vector<16xi32>], vector<16xf32>,
    %swap3A_642 = arith.constant 3 : i32
    %swap3A_643 = arith.index_cast %swap3A_642 : i32 to index
    %swap3A_644 = arith.constant 48 : index
    %swap3A_645 = tpu.vector_load %arg8[%swap3A_643, %swap3A_644] {strides = array<i32>} : memref<16x128xf32, #tpu.memory_space<vmem>>, vector<16xf32>,
    tpu.vector_store %arg8[%swap3A_643, %swap3A_644], %gather3A_641 {strides = array<i32>} : memref<16x128xf32, #tpu.memory_space<vmem>>, vector<16xf32>,
    %add3A_646 = arith.constant 4 : i32
    %add3A_647 = arith.addi %mul3A_74, %add3A_646 : i32
    %add3A_648 = vector.broadcast %add3A_647 : i32 to vector<16xi32>
    %add3A_649 = arith.addi %mul3A_609, %add3A_648 : vector<16xi32>
    %gather3A_650 = tpu.vector_load_idx %arg7[%add3A_601, %add3A_649] : memref<128x128xf32, #tpu.memory_space<vmem>>[vector<16xi32>, vector<16xi32>], vector<16xf32>,
    %swap3A_651 = arith.constant 4 : i32
    %swap3A_652 = arith.index_cast %swap3A_651 : i32 to index
    %swap3A_653 = arith.constant 48 : index
    %swap3A_654 = tpu.vector_load %arg8[%swap3A_652, %swap3A_653] {strides = array<i32>} : memref<16x128xf32, #tpu.memory_space<vmem>>, vector<16xf32>,
    tpu.vector_store %arg8[%swap3A_652, %swap3A_653], %gather3A_650 {strides = array<i32>} : memref<16x128xf32, #tpu.memory_space<vmem>>, vector<16xf32>,
    %add3A_655 = arith.constant 5 : i32
    %add3A_656 = arith.addi %mul3A_74, %add3A_655 : i32
    %add3A_657 = vector.broadcast %add3A_656 : i32 to vector<16xi32>
    %add3A_658 = arith.addi %mul3A_609, %add3A_657 : vector<16xi32>
    %gather3A_659 = tpu.vector_load_idx %arg7[%add3A_601, %add3A_658] : memref<128x128xf32, #tpu.memory_space<vmem>>[vector<16xi32>, vector<16xi32>], vector<16xf32>,
    %swap3A_660 = arith.constant 5 : i32
    %swap3A_661 = arith.index_cast %swap3A_660 : i32 to index
    %swap3A_662 = arith.constant 48 : index
    %swap3A_663 = tpu.vector_load %arg8[%swap3A_661, %swap3A_662] {strides = array<i32>} : memref<16x128xf32, #tpu.memory_space<vmem>>, vector<16xf32>,
    tpu.vector_store %arg8[%swap3A_661, %swap3A_662], %gather3A_659 {strides = array<i32>} : memref<16x128xf32, #tpu.memory_space<vmem>>, vector<16xf32>,
    %add3A_664 = arith.constant 6 : i32
    %add3A_665 = arith.addi %mul3A_74, %add3A_664 : i32
    %add3A_666 = vector.broadcast %add3A_665 : i32 to vector<16xi32>
    %add3A_667 = arith.addi %mul3A_609, %add3A_666 : vector<16xi32>
    %gather3A_668 = tpu.vector_load_idx %arg7[%add3A_601, %add3A_667] : memref<128x128xf32, #tpu.memory_space<vmem>>[vector<16xi32>, vector<16xi32>], vector<16xf32>,
    %swap3A_669 = arith.constant 6 : i32
    %swap3A_670 = arith.index_cast %swap3A_669 : i32 to index
    %swap3A_671 = arith.constant 48 : index
    %swap3A_672 = tpu.vector_load %arg8[%swap3A_670, %swap3A_671] {strides = array<i32>} : memref<16x128xf32, #tpu.memory_space<vmem>>, vector<16xf32>,
    tpu.vector_store %arg8[%swap3A_670, %swap3A_671], %gather3A_668 {strides = array<i32>} : memref<16x128xf32, #tpu.memory_space<vmem>>, vector<16xf32>,
    %add3A_673 = arith.constant 7 : i32
    %add3A_674 = arith.addi %mul3A_74, %add3A_673 : i32
    %add3A_675 = vector.broadcast %add3A_674 : i32 to vector<16xi32>
    %add3A_676 = arith.addi %mul3A_609, %add3A_675 : vector<16xi32>
    %gather3A_677 = tpu.vector_load_idx %arg7[%add3A_601, %add3A_676] : memref<128x128xf32, #tpu.memory_space<vmem>>[vector<16xi32>, vector<16xi32>], vector<16xf32>,
    %swap3A_678 = arith.constant 7 : i32
    %swap3A_679 = arith.index_cast %swap3A_678 : i32 to index
    %swap3A_680 = arith.constant 48 : index
    %swap3A_681 = tpu.vector_load %arg8[%swap3A_679, %swap3A_680] {strides = array<i32>} : memref<16x128xf32, #tpu.memory_space<vmem>>, vector<16xf32>,
    tpu.vector_store %arg8[%swap3A_679, %swap3A_680], %gather3A_677 {strides = array<i32>} : memref<16x128xf32, #tpu.memory_space<vmem>>, vector<16xf32>,
    %add3A_682 = arith.constant 8 : i32
    %add3A_683 = arith.addi %mul3A_74, %add3A_682 : i32
    %add3A_684 = vector.broadcast %add3A_683 : i32 to vector<16xi32>
    %add3A_685 = arith.addi %mul3A_609, %add3A_684 : vector<16xi32>
    %gather3A_686 = tpu.vector_load_idx %arg7[%add3A_601, %add3A_685] : memref<128x128xf32, #tpu.memory_space<vmem>>[vector<16xi32>, vector<16xi32>], vector<16xf32>,
    %swap3A_687 = arith.constant 8 : i32
    %swap3A_688 = arith.index_cast %swap3A_687 : i32 to index
    %swap3A_689 = arith.constant 48 : index
    %swap3A_690 = tpu.vector_load %arg8[%swap3A_688, %swap3A_689] {strides = array<i32>} : memref<16x128xf32, #tpu.memory_space<vmem>>, vector<16xf32>,
    tpu.vector_store %arg8[%swap3A_688, %swap3A_689], %gather3A_686 {strides = array<i32>} : memref<16x128xf32, #tpu.memory_space<vmem>>, vector<16xf32>,
    %add3A_691 = arith.constant 9 : i32
    %add3A_692 = arith.addi %mul3A_74, %add3A_691 : i32
    %add3A_693 = vector.broadcast %add3A_692 : i32 to vector<16xi32>
    %add3A_694 = arith.addi %mul3A_609, %add3A_693 : vector<16xi32>
    %gather3A_695 = tpu.vector_load_idx %arg7[%add3A_601, %add3A_694] : memref<128x128xf32, #tpu.memory_space<vmem>>[vector<16xi32>, vector<16xi32>], vector<16xf32>,
    %swap3A_696 = arith.constant 9 : i32
    %swap3A_697 = arith.index_cast %swap3A_696 : i32 to index
    %swap3A_698 = arith.constant 48 : index
    %swap3A_699 = tpu.vector_load %arg8[%swap3A_697, %swap3A_698] {strides = array<i32>} : memref<16x128xf32, #tpu.memory_space<vmem>>, vector<16xf32>,
    tpu.vector_store %arg8[%swap3A_697, %swap3A_698], %gather3A_695 {strides = array<i32>} : memref<16x128xf32, #tpu.memory_space<vmem>>, vector<16xf32>,
    %add3A_700 = arith.constant 10 : i32
    %add3A_701 = arith.addi %mul3A_74, %add3A_700 : i32
    %add3A_702 = vector.broadcast %add3A_701 : i32 to vector<16xi32>
    %add3A_703 = arith.addi %mul3A_609, %add3A_702 : vector<16xi32>
    %gather3A_704 = tpu.vector_load_idx %arg7[%add3A_601, %add3A_703] : memref<128x128xf32, #tpu.memory_space<vmem>>[vector<16xi32>, vector<16xi32>], vector<16xf32>,
    %swap3A_705 = arith.constant 10 : i32
    %swap3A_706 = arith.index_cast %swap3A_705 : i32 to index
    %swap3A_707 = arith.constant 48 : index
    %swap3A_708 = tpu.vector_load %arg8[%swap3A_706, %swap3A_707] {strides = array<i32>} : memref<16x128xf32, #tpu.memory_space<vmem>>, vector<16xf32>,
    tpu.vector_store %arg8[%swap3A_706, %swap3A_707], %gather3A_704 {strides = array<i32>} : memref<16x128xf32, #tpu.memory_space<vmem>>, vector<16xf32>,
    %add3A_709 = arith.constant 11 : i32
    %add3A_710 = arith.addi %mul3A_74, %add3A_709 : i32
    %add3A_711 = vector.broadcast %add3A_710 : i32 to vector<16xi32>
    %add3A_712 = arith.addi %mul3A_609, %add3A_711 : vector<16xi32>
    %gather3A_713 = tpu.vector_load_idx %arg7[%add3A_601, %add3A_712] : memref<128x128xf32, #tpu.memory_space<vmem>>[vector<16xi32>, vector<16xi32>], vector<16xf32>,
    %swap3A_714 = arith.constant 11 : i32
    %swap3A_715 = arith.index_cast %swap3A_714 : i32 to index
    %swap3A_716 = arith.constant 48 : index
    %swap3A_717 = tpu.vector_load %arg8[%swap3A_715, %swap3A_716] {strides = array<i32>} : memref<16x128xf32, #tpu.memory_space<vmem>>, vector<16xf32>,
    tpu.vector_store %arg8[%swap3A_715, %swap3A_716], %gather3A_713 {strides = array<i32>} : memref<16x128xf32, #tpu.memory_space<vmem>>, vector<16xf32>,
    %add3A_718 = arith.constant 12 : i32
    %add3A_719 = arith.addi %mul3A_74, %add3A_718 : i32
    %add3A_720 = vector.broadcast %add3A_719 : i32 to vector<16xi32>
    %add3A_721 = arith.addi %mul3A_609, %add3A_720 : vector<16xi32>
    %gather3A_722 = tpu.vector_load_idx %arg7[%add3A_601, %add3A_721] : memref<128x128xf32, #tpu.memory_space<vmem>>[vector<16xi32>, vector<16xi32>], vector<16xf32>,
    %swap3A_723 = arith.constant 12 : i32
    %swap3A_724 = arith.index_cast %swap3A_723 : i32 to index
    %swap3A_725 = arith.constant 48 : index
    %swap3A_726 = tpu.vector_load %arg8[%swap3A_724, %swap3A_725] {strides = array<i32>} : memref<16x128xf32, #tpu.memory_space<vmem>>, vector<16xf32>,
    tpu.vector_store %arg8[%swap3A_724, %swap3A_725], %gather3A_722 {strides = array<i32>} : memref<16x128xf32, #tpu.memory_space<vmem>>, vector<16xf32>,
    %add3A_727 = arith.constant 13 : i32
    %add3A_728 = arith.addi %mul3A_74, %add3A_727 : i32
    %add3A_729 = vector.broadcast %add3A_728 : i32 to vector<16xi32>
    %add3A_730 = arith.addi %mul3A_609, %add3A_729 : vector<16xi32>
    %gather3A_731 = tpu.vector_load_idx %arg7[%add3A_601, %add3A_730] : memref<128x128xf32, #tpu.memory_space<vmem>>[vector<16xi32>, vector<16xi32>], vector<16xf32>,
    %swap3A_732 = arith.constant 13 : i32
    %swap3A_733 = arith.index_cast %swap3A_732 : i32 to index
    %swap3A_734 = arith.constant 48 : index
    %swap3A_735 = tpu.vector_load %arg8[%swap3A_733, %swap3A_734] {strides = array<i32>} : memref<16x128xf32, #tpu.memory_space<vmem>>, vector<16xf32>,
    tpu.vector_store %arg8[%swap3A_733, %swap3A_734], %gather3A_731 {strides = array<i32>} : memref<16x128xf32, #tpu.memory_space<vmem>>, vector<16xf32>,
    %add3A_736 = arith.constant 14 : i32
    %add3A_737 = arith.addi %mul3A_74, %add3A_736 : i32
    %add3A_738 = vector.broadcast %add3A_737 : i32 to vector<16xi32>
    %add3A_739 = arith.addi %mul3A_609, %add3A_738 : vector<16xi32>
    %gather3A_740 = tpu.vector_load_idx %arg7[%add3A_601, %add3A_739] : memref<128x128xf32, #tpu.memory_space<vmem>>[vector<16xi32>, vector<16xi32>], vector<16xf32>,
    %swap3A_741 = arith.constant 14 : i32
    %swap3A_742 = arith.index_cast %swap3A_741 : i32 to index
    %swap3A_743 = arith.constant 48 : index
    %swap3A_744 = tpu.vector_load %arg8[%swap3A_742, %swap3A_743] {strides = array<i32>} : memref<16x128xf32, #tpu.memory_space<vmem>>, vector<16xf32>,
    tpu.vector_store %arg8[%swap3A_742, %swap3A_743], %gather3A_740 {strides = array<i32>} : memref<16x128xf32, #tpu.memory_space<vmem>>, vector<16xf32>,
    %add3A_745 = arith.constant 15 : i32
    %add3A_746 = arith.addi %mul3A_74, %add3A_745 : i32
    %add3A_747 = vector.broadcast %add3A_746 : i32 to vector<16xi32>
    %add3A_748 = arith.addi %mul3A_609, %add3A_747 : vector<16xi32>
    %gather3A_749 = tpu.vector_load_idx %arg7[%add3A_601, %add3A_748] : memref<128x128xf32, #tpu.memory_space<vmem>>[vector<16xi32>, vector<16xi32>], vector<16xf32>,
    %swap3A_750 = arith.constant 15 : i32
    %swap3A_751 = arith.index_cast %swap3A_750 : i32 to index
    %swap3A_752 = arith.constant 48 : index
    %swap3A_753 = tpu.vector_load %arg8[%swap3A_751, %swap3A_752] {strides = array<i32>} : memref<16x128xf32, #tpu.memory_space<vmem>>, vector<16xf32>,
    tpu.vector_store %arg8[%swap3A_751, %swap3A_752], %gather3A_749 {strides = array<i32>} : memref<16x128xf32, #tpu.memory_space<vmem>>, vector<16xf32>,
    %add3A_754 = arith.constant 64 : i32
    %add3A_755 = vector.broadcast %add3A_754 : i32 to vector<16xi32>
    %add3A_756 = arith.addi %iota3A, %add3A_755 : vector<16xi32>
    %get3A_757 = arith.constant 64 : index
    %get3A_758 = tpu.vector_load %arg5[%get3A_757] {strides = array<i32>} : memref<128xi32, #tpu.memory_space<vmem>>, vector<16xi32>,
    %and3A_759 = arith.constant 1 : i32
    %and3A_760 = vector.broadcast %and3A_759 : i32 to vector<16xi32>
    %and3A_761 = arith.andi %get3A_758, %and3A_760 : vector<16xi32>
    %mul3A_762 = arith.constant 64 : i32
    %mul3A_763 = vector.broadcast %mul3A_762 : i32 to vector<16xi32>
    %mul3A_764 = arith.muli %and3A_761, %mul3A_763 : vector<16xi32>
    %add3A_765 = arith.constant 0 : i32
    %add3A_766 = arith.addi %mul3A_74, %add3A_765 : i32
    %add3A_767 = vector.broadcast %add3A_766 : i32 to vector<16xi32>
    %add3A_768 = arith.addi %mul3A_764, %add3A_767 : vector<16xi32>
    %gather3A_769 = tpu.vector_load_idx %arg7[%add3A_756, %add3A_768] : memref<128x128xf32, #tpu.memory_space<vmem>>[vector<16xi32>, vector<16xi32>], vector<16xf32>,
    %swap3A_770 = arith.constant 0 : i32
    %swap3A_771 = arith.index_cast %swap3A_770 : i32 to index
    %swap3A_772 = arith.constant 64 : index
    %swap3A_773 = tpu.vector_load %arg8[%swap3A_771, %swap3A_772] {strides = array<i32>} : memref<16x128xf32, #tpu.memory_space<vmem>>, vector<16xf32>,
    tpu.vector_store %arg8[%swap3A_771, %swap3A_772], %gather3A_769 {strides = array<i32>} : memref<16x128xf32, #tpu.memory_space<vmem>>, vector<16xf32>,
    %add3A_774 = arith.constant 1 : i32
    %add3A_775 = arith.addi %mul3A_74, %add3A_774 : i32
    %add3A_776 = vector.broadcast %add3A_775 : i32 to vector<16xi32>
    %add3A_777 = arith.addi %mul3A_764, %add3A_776 : vector<16xi32>
    %gather3A_778 = tpu.vector_load_idx %arg7[%add3A_756, %add3A_777] : memref<128x128xf32, #tpu.memory_space<vmem>>[vector<16xi32>, vector<16xi32>], vector<16xf32>,
    %swap3A_779 = arith.constant 1 : i32
    %swap3A_780 = arith.index_cast %swap3A_779 : i32 to index
    %swap3A_781 = arith.constant 64 : index
    %swap3A_782 = tpu.vector_load %arg8[%swap3A_780, %swap3A_781] {strides = array<i32>} : memref<16x128xf32, #tpu.memory_space<vmem>>, vector<16xf32>,
    tpu.vector_store %arg8[%swap3A_780, %swap3A_781], %gather3A_778 {strides = array<i32>} : memref<16x128xf32, #tpu.memory_space<vmem>>, vector<16xf32>,
    %add3A_783 = arith.constant 2 : i32
    %add3A_784 = arith.addi %mul3A_74, %add3A_783 : i32
    %add3A_785 = vector.broadcast %add3A_784 : i32 to vector<16xi32>
    %add3A_786 = arith.addi %mul3A_764, %add3A_785 : vector<16xi32>
    %gather3A_787 = tpu.vector_load_idx %arg7[%add3A_756, %add3A_786] : memref<128x128xf32, #tpu.memory_space<vmem>>[vector<16xi32>, vector<16xi32>], vector<16xf32>,
    %swap3A_788 = arith.constant 2 : i32
    %swap3A_789 = arith.index_cast %swap3A_788 : i32 to index
    %swap3A_790 = arith.constant 64 : index
    %swap3A_791 = tpu.vector_load %arg8[%swap3A_789, %swap3A_790] {strides = array<i32>} : memref<16x128xf32, #tpu.memory_space<vmem>>, vector<16xf32>,
    tpu.vector_store %arg8[%swap3A_789, %swap3A_790], %gather3A_787 {strides = array<i32>} : memref<16x128xf32, #tpu.memory_space<vmem>>, vector<16xf32>,
    %add3A_792 = arith.constant 3 : i32
    %add3A_793 = arith.addi %mul3A_74, %add3A_792 : i32
    %add3A_794 = vector.broadcast %add3A_793 : i32 to vector<16xi32>
    %add3A_795 = arith.addi %mul3A_764, %add3A_794 : vector<16xi32>
    %gather3A_796 = tpu.vector_load_idx %arg7[%add3A_756, %add3A_795] : memref<128x128xf32, #tpu.memory_space<vmem>>[vector<16xi32>, vector<16xi32>], vector<16xf32>,
    %swap3A_797 = arith.constant 3 : i32
    %swap3A_798 = arith.index_cast %swap3A_797 : i32 to index
    %swap3A_799 = arith.constant 64 : index
    %swap3A_800 = tpu.vector_load %arg8[%swap3A_798, %swap3A_799] {strides = array<i32>} : memref<16x128xf32, #tpu.memory_space<vmem>>, vector<16xf32>,
    tpu.vector_store %arg8[%swap3A_798, %swap3A_799], %gather3A_796 {strides = array<i32>} : memref<16x128xf32, #tpu.memory_space<vmem>>, vector<16xf32>,
    %add3A_801 = arith.constant 4 : i32
    %add3A_802 = arith.addi %mul3A_74, %add3A_801 : i32
    %add3A_803 = vector.broadcast %add3A_802 : i32 to vector<16xi32>
    %add3A_804 = arith.addi %mul3A_764, %add3A_803 : vector<16xi32>
    %gather3A_805 = tpu.vector_load_idx %arg7[%add3A_756, %add3A_804] : memref<128x128xf32, #tpu.memory_space<vmem>>[vector<16xi32>, vector<16xi32>], vector<16xf32>,
    %swap3A_806 = arith.constant 4 : i32
    %swap3A_807 = arith.index_cast %swap3A_806 : i32 to index
    %swap3A_808 = arith.constant 64 : index
    %swap3A_809 = tpu.vector_load %arg8[%swap3A_807, %swap3A_808] {strides = array<i32>} : memref<16x128xf32, #tpu.memory_space<vmem>>, vector<16xf32>,
    tpu.vector_store %arg8[%swap3A_807, %swap3A_808], %gather3A_805 {strides = array<i32>} : memref<16x128xf32, #tpu.memory_space<vmem>>, vector<16xf32>,
    %add3A_810 = arith.constant 5 : i32
    %add3A_811 = arith.addi %mul3A_74, %add3A_810 : i32
    %add3A_812 = vector.broadcast %add3A_811 : i32 to vector<16xi32>
    %add3A_813 = arith.addi %mul3A_764, %add3A_812 : vector<16xi32>
    %gather3A_814 = tpu.vector_load_idx %arg7[%add3A_756, %add3A_813] : memref<128x128xf32, #tpu.memory_space<vmem>>[vector<16xi32>, vector<16xi32>], vector<16xf32>,
    %swap3A_815 = arith.constant 5 : i32
    %swap3A_816 = arith.index_cast %swap3A_815 : i32 to index
    %swap3A_817 = arith.constant 64 : index
    %swap3A_818 = tpu.vector_load %arg8[%swap3A_816, %swap3A_817] {strides = array<i32>} : memref<16x128xf32, #tpu.memory_space<vmem>>, vector<16xf32>,
    tpu.vector_store %arg8[%swap3A_816, %swap3A_817], %gather3A_814 {strides = array<i32>} : memref<16x128xf32, #tpu.memory_space<vmem>>, vector<16xf32>,
    %add3A_819 = arith.constant 6 : i32
    %add3A_820 = arith.addi %mul3A_74, %add3A_819 : i32
    %add3A_821 = vector.broadcast %add3A_820 : i32 to vector<16xi32>
    %add3A_822 = arith.addi %mul3A_764, %add3A_821 : vector<16xi32>
    %gather3A_823 = tpu.vector_load_idx %arg7[%add3A_756, %add3A_822] : memref<128x128xf32, #tpu.memory_space<vmem>>[vector<16xi32>, vector<16xi32>], vector<16xf32>,
    %swap3A_824 = arith.constant 6 : i32
    %swap3A_825 = arith.index_cast %swap3A_824 : i32 to index
    %swap3A_826 = arith.constant 64 : index
    %swap3A_827 = tpu.vector_load %arg8[%swap3A_825, %swap3A_826] {strides = array<i32>} : memref<16x128xf32, #tpu.memory_space<vmem>>, vector<16xf32>,
    tpu.vector_store %arg8[%swap3A_825, %swap3A_826], %gather3A_823 {strides = array<i32>} : memref<16x128xf32, #tpu.memory_space<vmem>>, vector<16xf32>,
    %add3A_828 = arith.constant 7 : i32
    %add3A_829 = arith.addi %mul3A_74, %add3A_828 : i32
    %add3A_830 = vector.broadcast %add3A_829 : i32 to vector<16xi32>
    %add3A_831 = arith.addi %mul3A_764, %add3A_830 : vector<16xi32>
    %gather3A_832 = tpu.vector_load_idx %arg7[%add3A_756, %add3A_831] : memref<128x128xf32, #tpu.memory_space<vmem>>[vector<16xi32>, vector<16xi32>], vector<16xf32>,
    %swap3A_833 = arith.constant 7 : i32
    %swap3A_834 = arith.index_cast %swap3A_833 : i32 to index
    %swap3A_835 = arith.constant 64 : index
    %swap3A_836 = tpu.vector_load %arg8[%swap3A_834, %swap3A_835] {strides = array<i32>} : memref<16x128xf32, #tpu.memory_space<vmem>>, vector<16xf32>,
    tpu.vector_store %arg8[%swap3A_834, %swap3A_835], %gather3A_832 {strides = array<i32>} : memref<16x128xf32, #tpu.memory_space<vmem>>, vector<16xf32>,
    %add3A_837 = arith.constant 8 : i32
    %add3A_838 = arith.addi %mul3A_74, %add3A_837 : i32
    %add3A_839 = vector.broadcast %add3A_838 : i32 to vector<16xi32>
    %add3A_840 = arith.addi %mul3A_764, %add3A_839 : vector<16xi32>
    %gather3A_841 = tpu.vector_load_idx %arg7[%add3A_756, %add3A_840] : memref<128x128xf32, #tpu.memory_space<vmem>>[vector<16xi32>, vector<16xi32>], vector<16xf32>,
    %swap3A_842 = arith.constant 8 : i32
    %swap3A_843 = arith.index_cast %swap3A_842 : i32 to index
    %swap3A_844 = arith.constant 64 : index
    %swap3A_845 = tpu.vector_load %arg8[%swap3A_843, %swap3A_844] {strides = array<i32>} : memref<16x128xf32, #tpu.memory_space<vmem>>, vector<16xf32>,
    tpu.vector_store %arg8[%swap3A_843, %swap3A_844], %gather3A_841 {strides = array<i32>} : memref<16x128xf32, #tpu.memory_space<vmem>>, vector<16xf32>,
    %add3A_846 = arith.constant 9 : i32
    %add3A_847 = arith.addi %mul3A_74, %add3A_846 : i32
    %add3A_848 = vector.broadcast %add3A_847 : i32 to vector<16xi32>
    %add3A_849 = arith.addi %mul3A_764, %add3A_848 : vector<16xi32>
    %gather3A_850 = tpu.vector_load_idx %arg7[%add3A_756, %add3A_849] : memref<128x128xf32, #tpu.memory_space<vmem>>[vector<16xi32>, vector<16xi32>], vector<16xf32>,
    %swap3A_851 = arith.constant 9 : i32
    %swap3A_852 = arith.index_cast %swap3A_851 : i32 to index
    %swap3A_853 = arith.constant 64 : index
    %swap3A_854 = tpu.vector_load %arg8[%swap3A_852, %swap3A_853] {strides = array<i32>} : memref<16x128xf32, #tpu.memory_space<vmem>>, vector<16xf32>,
    tpu.vector_store %arg8[%swap3A_852, %swap3A_853], %gather3A_850 {strides = array<i32>} : memref<16x128xf32, #tpu.memory_space<vmem>>, vector<16xf32>,
    %add3A_855 = arith.constant 10 : i32
    %add3A_856 = arith.addi %mul3A_74, %add3A_855 : i32
    %add3A_857 = vector.broadcast %add3A_856 : i32 to vector<16xi32>
    %add3A_858 = arith.addi %mul3A_764, %add3A_857 : vector<16xi32>
    %gather3A_859 = tpu.vector_load_idx %arg7[%add3A_756, %add3A_858] : memref<128x128xf32, #tpu.memory_space<vmem>>[vector<16xi32>, vector<16xi32>], vector<16xf32>,
    %swap3A_860 = arith.constant 10 : i32
    %swap3A_861 = arith.index_cast %swap3A_860 : i32 to index
    %swap3A_862 = arith.constant 64 : index
    %swap3A_863 = tpu.vector_load %arg8[%swap3A_861, %swap3A_862] {strides = array<i32>} : memref<16x128xf32, #tpu.memory_space<vmem>>, vector<16xf32>,
    tpu.vector_store %arg8[%swap3A_861, %swap3A_862], %gather3A_859 {strides = array<i32>} : memref<16x128xf32, #tpu.memory_space<vmem>>, vector<16xf32>,
    %add3A_864 = arith.constant 11 : i32
    %add3A_865 = arith.addi %mul3A_74, %add3A_864 : i32
    %add3A_866 = vector.broadcast %add3A_865 : i32 to vector<16xi32>
    %add3A_867 = arith.addi %mul3A_764, %add3A_866 : vector<16xi32>
    %gather3A_868 = tpu.vector_load_idx %arg7[%add3A_756, %add3A_867] : memref<128x128xf32, #tpu.memory_space<vmem>>[vector<16xi32>, vector<16xi32>], vector<16xf32>,
    %swap3A_869 = arith.constant 11 : i32
    %swap3A_870 = arith.index_cast %swap3A_869 : i32 to index
    %swap3A_871 = arith.constant 64 : index
    %swap3A_872 = tpu.vector_load %arg8[%swap3A_870, %swap3A_871] {strides = array<i32>} : memref<16x128xf32, #tpu.memory_space<vmem>>, vector<16xf32>,
    tpu.vector_store %arg8[%swap3A_870, %swap3A_871], %gather3A_868 {strides = array<i32>} : memref<16x128xf32, #tpu.memory_space<vmem>>, vector<16xf32>,
    %add3A_873 = arith.constant 12 : i32
    %add3A_874 = arith.addi %mul3A_74, %add3A_873 : i32
    %add3A_875 = vector.broadcast %add3A_874 : i32 to vector<16xi32>
    %add3A_876 = arith.addi %mul3A_764, %add3A_875 : vector<16xi32>
    %gather3A_877 = tpu.vector_load_idx %arg7[%add3A_756, %add3A_876] : memref<128x128xf32, #tpu.memory_space<vmem>>[vector<16xi32>, vector<16xi32>], vector<16xf32>,
    %swap3A_878 = arith.constant 12 : i32
    %swap3A_879 = arith.index_cast %swap3A_878 : i32 to index
    %swap3A_880 = arith.constant 64 : index
    %swap3A_881 = tpu.vector_load %arg8[%swap3A_879, %swap3A_880] {strides = array<i32>} : memref<16x128xf32, #tpu.memory_space<vmem>>, vector<16xf32>,
    tpu.vector_store %arg8[%swap3A_879, %swap3A_880], %gather3A_877 {strides = array<i32>} : memref<16x128xf32, #tpu.memory_space<vmem>>, vector<16xf32>,
    %add3A_882 = arith.constant 13 : i32
    %add3A_883 = arith.addi %mul3A_74, %add3A_882 : i32
    %add3A_884 = vector.broadcast %add3A_883 : i32 to vector<16xi32>
    %add3A_885 = arith.addi %mul3A_764, %add3A_884 : vector<16xi32>
    %gather3A_886 = tpu.vector_load_idx %arg7[%add3A_756, %add3A_885] : memref<128x128xf32, #tpu.memory_space<vmem>>[vector<16xi32>, vector<16xi32>], vector<16xf32>,
    %swap3A_887 = arith.constant 13 : i32
    %swap3A_888 = arith.index_cast %swap3A_887 : i32 to index
    %swap3A_889 = arith.constant 64 : index
    %swap3A_890 = tpu.vector_load %arg8[%swap3A_888, %swap3A_889] {strides = array<i32>} : memref<16x128xf32, #tpu.memory_space<vmem>>, vector<16xf32>,
    tpu.vector_store %arg8[%swap3A_888, %swap3A_889], %gather3A_886 {strides = array<i32>} : memref<16x128xf32, #tpu.memory_space<vmem>>, vector<16xf32>,
    %add3A_891 = arith.constant 14 : i32
    %add3A_892 = arith.addi %mul3A_74, %add3A_891 : i32
    %add3A_893 = vector.broadcast %add3A_892 : i32 to vector<16xi32>
    %add3A_894 = arith.addi %mul3A_764, %add3A_893 : vector<16xi32>
    %gather3A_895 = tpu.vector_load_idx %arg7[%add3A_756, %add3A_894] : memref<128x128xf32, #tpu.memory_space<vmem>>[vector<16xi32>, vector<16xi32>], vector<16xf32>,
    %swap3A_896 = arith.constant 14 : i32
    %swap3A_897 = arith.index_cast %swap3A_896 : i32 to index
    %swap3A_898 = arith.constant 64 : index
    %swap3A_899 = tpu.vector_load %arg8[%swap3A_897, %swap3A_898] {strides = array<i32>} : memref<16x128xf32, #tpu.memory_space<vmem>>, vector<16xf32>,
    tpu.vector_store %arg8[%swap3A_897, %swap3A_898], %gather3A_895 {strides = array<i32>} : memref<16x128xf32, #tpu.memory_space<vmem>>, vector<16xf32>,
    %add3A_900 = arith.constant 15 : i32
    %add3A_901 = arith.addi %mul3A_74, %add3A_900 : i32
    %add3A_902 = vector.broadcast %add3A_901 : i32 to vector<16xi32>
    %add3A_903 = arith.addi %mul3A_764, %add3A_902 : vector<16xi32>
    %gather3A_904 = tpu.vector_load_idx %arg7[%add3A_756, %add3A_903] : memref<128x128xf32, #tpu.memory_space<vmem>>[vector<16xi32>, vector<16xi32>], vector<16xf32>,
    %swap3A_905 = arith.constant 15 : i32
    %swap3A_906 = arith.index_cast %swap3A_905 : i32 to index
    %swap3A_907 = arith.constant 64 : index
    %swap3A_908 = tpu.vector_load %arg8[%swap3A_906, %swap3A_907] {strides = array<i32>} : memref<16x128xf32, #tpu.memory_space<vmem>>, vector<16xf32>,
    tpu.vector_store %arg8[%swap3A_906, %swap3A_907], %gather3A_904 {strides = array<i32>} : memref<16x128xf32, #tpu.memory_space<vmem>>, vector<16xf32>,
    %add3A_909 = arith.constant 80 : i32
    %add3A_910 = vector.broadcast %add3A_909 : i32 to vector<16xi32>
    %add3A_911 = arith.addi %iota3A, %add3A_910 : vector<16xi32>
    %get3A_912 = arith.constant 80 : index
    %get3A_913 = tpu.vector_load %arg5[%get3A_912] {strides = array<i32>} : memref<128xi32, #tpu.memory_space<vmem>>, vector<16xi32>,
    %and3A_914 = arith.constant 1 : i32
    %and3A_915 = vector.broadcast %and3A_914 : i32 to vector<16xi32>
    %and3A_916 = arith.andi %get3A_913, %and3A_915 : vector<16xi32>
    %mul3A_917 = arith.constant 64 : i32
    %mul3A_918 = vector.broadcast %mul3A_917 : i32 to vector<16xi32>
    %mul3A_919 = arith.muli %and3A_916, %mul3A_918 : vector<16xi32>
    %add3A_920 = arith.constant 0 : i32
    %add3A_921 = arith.addi %mul3A_74, %add3A_920 : i32
    %add3A_922 = vector.broadcast %add3A_921 : i32 to vector<16xi32>
    %add3A_923 = arith.addi %mul3A_919, %add3A_922 : vector<16xi32>
    %gather3A_924 = tpu.vector_load_idx %arg7[%add3A_911, %add3A_923] : memref<128x128xf32, #tpu.memory_space<vmem>>[vector<16xi32>, vector<16xi32>], vector<16xf32>,
    %swap3A_925 = arith.constant 0 : i32
    %swap3A_926 = arith.index_cast %swap3A_925 : i32 to index
    %swap3A_927 = arith.constant 80 : index
    %swap3A_928 = tpu.vector_load %arg8[%swap3A_926, %swap3A_927] {strides = array<i32>} : memref<16x128xf32, #tpu.memory_space<vmem>>, vector<16xf32>,
    tpu.vector_store %arg8[%swap3A_926, %swap3A_927], %gather3A_924 {strides = array<i32>} : memref<16x128xf32, #tpu.memory_space<vmem>>, vector<16xf32>,
    %add3A_929 = arith.constant 1 : i32
    %add3A_930 = arith.addi %mul3A_74, %add3A_929 : i32
    %add3A_931 = vector.broadcast %add3A_930 : i32 to vector<16xi32>
    %add3A_932 = arith.addi %mul3A_919, %add3A_931 : vector<16xi32>
    %gather3A_933 = tpu.vector_load_idx %arg7[%add3A_911, %add3A_932] : memref<128x128xf32, #tpu.memory_space<vmem>>[vector<16xi32>, vector<16xi32>], vector<16xf32>,
    %swap3A_934 = arith.constant 1 : i32
    %swap3A_935 = arith.index_cast %swap3A_934 : i32 to index
    %swap3A_936 = arith.constant 80 : index
    %swap3A_937 = tpu.vector_load %arg8[%swap3A_935, %swap3A_936] {strides = array<i32>} : memref<16x128xf32, #tpu.memory_space<vmem>>, vector<16xf32>,
    tpu.vector_store %arg8[%swap3A_935, %swap3A_936], %gather3A_933 {strides = array<i32>} : memref<16x128xf32, #tpu.memory_space<vmem>>, vector<16xf32>,
    %add3A_938 = arith.constant 2 : i32
    %add3A_939 = arith.addi %mul3A_74, %add3A_938 : i32
    %add3A_940 = vector.broadcast %add3A_939 : i32 to vector<16xi32>
    %add3A_941 = arith.addi %mul3A_919, %add3A_940 : vector<16xi32>
    %gather3A_942 = tpu.vector_load_idx %arg7[%add3A_911, %add3A_941] : memref<128x128xf32, #tpu.memory_space<vmem>>[vector<16xi32>, vector<16xi32>], vector<16xf32>,
    %swap3A_943 = arith.constant 2 : i32
    %swap3A_944 = arith.index_cast %swap3A_943 : i32 to index
    %swap3A_945 = arith.constant 80 : index
    %swap3A_946 = tpu.vector_load %arg8[%swap3A_944, %swap3A_945] {strides = array<i32>} : memref<16x128xf32, #tpu.memory_space<vmem>>, vector<16xf32>,
    tpu.vector_store %arg8[%swap3A_944, %swap3A_945], %gather3A_942 {strides = array<i32>} : memref<16x128xf32, #tpu.memory_space<vmem>>, vector<16xf32>,
    %add3A_947 = arith.constant 3 : i32
    %add3A_948 = arith.addi %mul3A_74, %add3A_947 : i32
    %add3A_949 = vector.broadcast %add3A_948 : i32 to vector<16xi32>
    %add3A_950 = arith.addi %mul3A_919, %add3A_949 : vector<16xi32>
    %gather3A_951 = tpu.vector_load_idx %arg7[%add3A_911, %add3A_950] : memref<128x128xf32, #tpu.memory_space<vmem>>[vector<16xi32>, vector<16xi32>], vector<16xf32>,
    %swap3A_952 = arith.constant 3 : i32
    %swap3A_953 = arith.index_cast %swap3A_952 : i32 to index
    %swap3A_954 = arith.constant 80 : index
    %swap3A_955 = tpu.vector_load %arg8[%swap3A_953, %swap3A_954] {strides = array<i32>} : memref<16x128xf32, #tpu.memory_space<vmem>>, vector<16xf32>,
    tpu.vector_store %arg8[%swap3A_953, %swap3A_954], %gather3A_951 {strides = array<i32>} : memref<16x128xf32, #tpu.memory_space<vmem>>, vector<16xf32>,
    %add3A_956 = arith.constant 4 : i32
    %add3A_957 = arith.addi %mul3A_74, %add3A_956 : i32
    %add3A_958 = vector.broadcast %add3A_957 : i32 to vector<16xi32>
    %add3A_959 = arith.addi %mul3A_919, %add3A_958 : vector<16xi32>
    %gather3A_960 = tpu.vector_load_idx %arg7[%add3A_911, %add3A_959] : memref<128x128xf32, #tpu.memory_space<vmem>>[vector<16xi32>, vector<16xi32>], vector<16xf32>,
    %swap3A_961 = arith.constant 4 : i32
    %swap3A_962 = arith.index_cast %swap3A_961 : i32 to index
    %swap3A_963 = arith.constant 80 : index
    %swap3A_964 = tpu.vector_load %arg8[%swap3A_962, %swap3A_963] {strides = array<i32>} : memref<16x128xf32, #tpu.memory_space<vmem>>, vector<16xf32>,
    tpu.vector_store %arg8[%swap3A_962, %swap3A_963], %gather3A_960 {strides = array<i32>} : memref<16x128xf32, #tpu.memory_space<vmem>>, vector<16xf32>,
    %add3A_965 = arith.constant 5 : i32
    %add3A_966 = arith.addi %mul3A_74, %add3A_965 : i32
    %add3A_967 = vector.broadcast %add3A_966 : i32 to vector<16xi32>
    %add3A_968 = arith.addi %mul3A_919, %add3A_967 : vector<16xi32>
    %gather3A_969 = tpu.vector_load_idx %arg7[%add3A_911, %add3A_968] : memref<128x128xf32, #tpu.memory_space<vmem>>[vector<16xi32>, vector<16xi32>], vector<16xf32>,
    %swap3A_970 = arith.constant 5 : i32
    %swap3A_971 = arith.index_cast %swap3A_970 : i32 to index
    %swap3A_972 = arith.constant 80 : index
    %swap3A_973 = tpu.vector_load %arg8[%swap3A_971, %swap3A_972] {strides = array<i32>} : memref<16x128xf32, #tpu.memory_space<vmem>>, vector<16xf32>,
    tpu.vector_store %arg8[%swap3A_971, %swap3A_972], %gather3A_969 {strides = array<i32>} : memref<16x128xf32, #tpu.memory_space<vmem>>, vector<16xf32>,
    %add3A_974 = arith.constant 6 : i32
    %add3A_975 = arith.addi %mul3A_74, %add3A_974 : i32
    %add3A_976 = vector.broadcast %add3A_975 : i32 to vector<16xi32>
    %add3A_977 = arith.addi %mul3A_919, %add3A_976 : vector<16xi32>
    %gather3A_978 = tpu.vector_load_idx %arg7[%add3A_911, %add3A_977] : memref<128x128xf32, #tpu.memory_space<vmem>>[vector<16xi32>, vector<16xi32>], vector<16xf32>,
    %swap3A_979 = arith.constant 6 : i32
    %swap3A_980 = arith.index_cast %swap3A_979 : i32 to index
    %swap3A_981 = arith.constant 80 : index
    %swap3A_982 = tpu.vector_load %arg8[%swap3A_980, %swap3A_981] {strides = array<i32>} : memref<16x128xf32, #tpu.memory_space<vmem>>, vector<16xf32>,
    tpu.vector_store %arg8[%swap3A_980, %swap3A_981], %gather3A_978 {strides = array<i32>} : memref<16x128xf32, #tpu.memory_space<vmem>>, vector<16xf32>,
    %add3A_983 = arith.constant 7 : i32
    %add3A_984 = arith.addi %mul3A_74, %add3A_983 : i32
    %add3A_985 = vector.broadcast %add3A_984 : i32 to vector<16xi32>
    %add3A_986 = arith.addi %mul3A_919, %add3A_985 : vector<16xi32>
    %gather3A_987 = tpu.vector_load_idx %arg7[%add3A_911, %add3A_986] : memref<128x128xf32, #tpu.memory_space<vmem>>[vector<16xi32>, vector<16xi32>], vector<16xf32>,
    %swap3A_988 = arith.constant 7 : i32
    %swap3A_989 = arith.index_cast %swap3A_988 : i32 to index
    %swap3A_990 = arith.constant 80 : index
    %swap3A_991 = tpu.vector_load %arg8[%swap3A_989, %swap3A_990] {strides = array<i32>} : memref<16x128xf32, #tpu.memory_space<vmem>>, vector<16xf32>,
    tpu.vector_store %arg8[%swap3A_989, %swap3A_990], %gather3A_987 {strides = array<i32>} : memref<16x128xf32, #tpu.memory_space<vmem>>, vector<16xf32>,
    %add3A_992 = arith.constant 8 : i32
    %add3A_993 = arith.addi %mul3A_74, %add3A_992 : i32
    %add3A_994 = vector.broadcast %add3A_993 : i32 to vector<16xi32>
    %add3A_995 = arith.addi %mul3A_919, %add3A_994 : vector<16xi32>
    %gather3A_996 = tpu.vector_load_idx %arg7[%add3A_911, %add3A_995] : memref<128x128xf32, #tpu.memory_space<vmem>>[vector<16xi32>, vector<16xi32>], vector<16xf32>,
    %swap3A_997 = arith.constant 8 : i32
    %swap3A_998 = arith.index_cast %swap3A_997 : i32 to index
    %swap3A_999 = arith.constant 80 : index
    %swap3A_1000 = tpu.vector_load %arg8[%swap3A_998, %swap3A_999] {strides = array<i32>} : memref<16x128xf32, #tpu.memory_space<vmem>>, vector<16xf32>,
    tpu.vector_store %arg8[%swap3A_998, %swap3A_999], %gather3A_996 {strides = array<i32>} : memref<16x128xf32, #tpu.memory_space<vmem>>, vector<16xf32>,
    %add3A_1001 = arith.constant 9 : i32
    %add3A_1002 = arith.addi %mul3A_74, %add3A_1001 : i32
    %add3A_1003 = vector.broadcast %add3A_1002 : i32 to vector<16xi32>
    %add3A_1004 = arith.addi %mul3A_919, %add3A_1003 : vector<16xi32>
    %gather3A_1005 = tpu.vector_load_idx %arg7[%add3A_911, %add3A_1004] : memref<128x128xf32, #tpu.memory_space<vmem>>[vector<16xi32>, vector<16xi32>], vector<16xf32>,
    %swap3A_1006 = arith.constant 9 : i32
    %swap3A_1007 = arith.index_cast %swap3A_1006 : i32 to index
    %swap3A_1008 = arith.constant 80 : index
    %swap3A_1009 = tpu.vector_load %arg8[%swap3A_1007, %swap3A_1008] {strides = array<i32>} : memref<16x128xf32, #tpu.memory_space<vmem>>, vector<16xf32>,
    tpu.vector_store %arg8[%swap3A_1007, %swap3A_1008], %gather3A_1005 {strides = array<i32>} : memref<16x128xf32, #tpu.memory_space<vmem>>, vector<16xf32>,
    %add3A_1010 = arith.constant 10 : i32
    %add3A_1011 = arith.addi %mul3A_74, %add3A_1010 : i32
    %add3A_1012 = vector.broadcast %add3A_1011 : i32 to vector<16xi32>
    %add3A_1013 = arith.addi %mul3A_919, %add3A_1012 : vector<16xi32>
    %gather3A_1014 = tpu.vector_load_idx %arg7[%add3A_911, %add3A_1013] : memref<128x128xf32, #tpu.memory_space<vmem>>[vector<16xi32>, vector<16xi32>], vector<16xf32>,
    %swap3A_1015 = arith.constant 10 : i32
    %swap3A_1016 = arith.index_cast %swap3A_1015 : i32 to index
    %swap3A_1017 = arith.constant 80 : index
    %swap3A_1018 = tpu.vector_load %arg8[%swap3A_1016, %swap3A_1017] {strides = array<i32>} : memref<16x128xf32, #tpu.memory_space<vmem>>, vector<16xf32>,
    tpu.vector_store %arg8[%swap3A_1016, %swap3A_1017], %gather3A_1014 {strides = array<i32>} : memref<16x128xf32, #tpu.memory_space<vmem>>, vector<16xf32>,
    %add3A_1019 = arith.constant 11 : i32
    %add3A_1020 = arith.addi %mul3A_74, %add3A_1019 : i32
    %add3A_1021 = vector.broadcast %add3A_1020 : i32 to vector<16xi32>
    %add3A_1022 = arith.addi %mul3A_919, %add3A_1021 : vector<16xi32>
    %gather3A_1023 = tpu.vector_load_idx %arg7[%add3A_911, %add3A_1022] : memref<128x128xf32, #tpu.memory_space<vmem>>[vector<16xi32>, vector<16xi32>], vector<16xf32>,
    %swap3A_1024 = arith.constant 11 : i32
    %swap3A_1025 = arith.index_cast %swap3A_1024 : i32 to index
    %swap3A_1026 = arith.constant 80 : index
    %swap3A_1027 = tpu.vector_load %arg8[%swap3A_1025, %swap3A_1026] {strides = array<i32>} : memref<16x128xf32, #tpu.memory_space<vmem>>, vector<16xf32>,
    tpu.vector_store %arg8[%swap3A_1025, %swap3A_1026], %gather3A_1023 {strides = array<i32>} : memref<16x128xf32, #tpu.memory_space<vmem>>, vector<16xf32>,
    %add3A_1028 = arith.constant 12 : i32
    %add3A_1029 = arith.addi %mul3A_74, %add3A_1028 : i32
    %add3A_1030 = vector.broadcast %add3A_1029 : i32 to vector<16xi32>
    %add3A_1031 = arith.addi %mul3A_919, %add3A_1030 : vector<16xi32>
    %gather3A_1032 = tpu.vector_load_idx %arg7[%add3A_911, %add3A_1031] : memref<128x128xf32, #tpu.memory_space<vmem>>[vector<16xi32>, vector<16xi32>], vector<16xf32>,
    %swap3A_1033 = arith.constant 12 : i32
    %swap3A_1034 = arith.index_cast %swap3A_1033 : i32 to index
    %swap3A_1035 = arith.constant 80 : index
    %swap3A_1036 = tpu.vector_load %arg8[%swap3A_1034, %swap3A_1035] {strides = array<i32>} : memref<16x128xf32, #tpu.memory_space<vmem>>, vector<16xf32>,
    tpu.vector_store %arg8[%swap3A_1034, %swap3A_1035], %gather3A_1032 {strides = array<i32>} : memref<16x128xf32, #tpu.memory_space<vmem>>, vector<16xf32>,
    %add3A_1037 = arith.constant 13 : i32
    %add3A_1038 = arith.addi %mul3A_74, %add3A_1037 : i32
    %add3A_1039 = vector.broadcast %add3A_1038 : i32 to vector<16xi32>
    %add3A_1040 = arith.addi %mul3A_919, %add3A_1039 : vector<16xi32>
    %gather3A_1041 = tpu.vector_load_idx %arg7[%add3A_911, %add3A_1040] : memref<128x128xf32, #tpu.memory_space<vmem>>[vector<16xi32>, vector<16xi32>], vector<16xf32>,
    %swap3A_1042 = arith.constant 13 : i32
    %swap3A_1043 = arith.index_cast %swap3A_1042 : i32 to index
    %swap3A_1044 = arith.constant 80 : index
    %swap3A_1045 = tpu.vector_load %arg8[%swap3A_1043, %swap3A_1044] {strides = array<i32>} : memref<16x128xf32, #tpu.memory_space<vmem>>, vector<16xf32>,
    tpu.vector_store %arg8[%swap3A_1043, %swap3A_1044], %gather3A_1041 {strides = array<i32>} : memref<16x128xf32, #tpu.memory_space<vmem>>, vector<16xf32>,
    %add3A_1046 = arith.constant 14 : i32
    %add3A_1047 = arith.addi %mul3A_74, %add3A_1046 : i32
    %add3A_1048 = vector.broadcast %add3A_1047 : i32 to vector<16xi32>
    %add3A_1049 = arith.addi %mul3A_919, %add3A_1048 : vector<16xi32>
    %gather3A_1050 = tpu.vector_load_idx %arg7[%add3A_911, %add3A_1049] : memref<128x128xf32, #tpu.memory_space<vmem>>[vector<16xi32>, vector<16xi32>], vector<16xf32>,
    %swap3A_1051 = arith.constant 14 : i32
    %swap3A_1052 = arith.index_cast %swap3A_1051 : i32 to index
    %swap3A_1053 = arith.constant 80 : index
    %swap3A_1054 = tpu.vector_load %arg8[%swap3A_1052, %swap3A_1053] {strides = array<i32>} : memref<16x128xf32, #tpu.memory_space<vmem>>, vector<16xf32>,
    tpu.vector_store %arg8[%swap3A_1052, %swap3A_1053], %gather3A_1050 {strides = array<i32>} : memref<16x128xf32, #tpu.memory_space<vmem>>, vector<16xf32>,
    %add3A_1055 = arith.constant 15 : i32
    %add3A_1056 = arith.addi %mul3A_74, %add3A_1055 : i32
    %add3A_1057 = vector.broadcast %add3A_1056 : i32 to vector<16xi32>
    %add3A_1058 = arith.addi %mul3A_919, %add3A_1057 : vector<16xi32>
    %gather3A_1059 = tpu.vector_load_idx %arg7[%add3A_911, %add3A_1058] : memref<128x128xf32, #tpu.memory_space<vmem>>[vector<16xi32>, vector<16xi32>], vector<16xf32>,
    %swap3A_1060 = arith.constant 15 : i32
    %swap3A_1061 = arith.index_cast %swap3A_1060 : i32 to index
    %swap3A_1062 = arith.constant 80 : index
    %swap3A_1063 = tpu.vector_load %arg8[%swap3A_1061, %swap3A_1062] {strides = array<i32>} : memref<16x128xf32, #tpu.memory_space<vmem>>, vector<16xf32>,
    tpu.vector_store %arg8[%swap3A_1061, %swap3A_1062], %gather3A_1059 {strides = array<i32>} : memref<16x128xf32, #tpu.memory_space<vmem>>, vector<16xf32>,
    %add3A_1064 = arith.constant 96 : i32
    %add3A_1065 = vector.broadcast %add3A_1064 : i32 to vector<16xi32>
    %add3A_1066 = arith.addi %iota3A, %add3A_1065 : vector<16xi32>
    %get3A_1067 = arith.constant 96 : index
    %get3A_1068 = tpu.vector_load %arg5[%get3A_1067] {strides = array<i32>} : memref<128xi32, #tpu.memory_space<vmem>>, vector<16xi32>,
    %and3A_1069 = arith.constant 1 : i32
    %and3A_1070 = vector.broadcast %and3A_1069 : i32 to vector<16xi32>
    %and3A_1071 = arith.andi %get3A_1068, %and3A_1070 : vector<16xi32>
    %mul3A_1072 = arith.constant 64 : i32
    %mul3A_1073 = vector.broadcast %mul3A_1072 : i32 to vector<16xi32>
    %mul3A_1074 = arith.muli %and3A_1071, %mul3A_1073 : vector<16xi32>
    %add3A_1075 = arith.constant 0 : i32
    %add3A_1076 = arith.addi %mul3A_74, %add3A_1075 : i32
    %add3A_1077 = vector.broadcast %add3A_1076 : i32 to vector<16xi32>
    %add3A_1078 = arith.addi %mul3A_1074, %add3A_1077 : vector<16xi32>
    %gather3A_1079 = tpu.vector_load_idx %arg7[%add3A_1066, %add3A_1078] : memref<128x128xf32, #tpu.memory_space<vmem>>[vector<16xi32>, vector<16xi32>], vector<16xf32>,
    %swap3A_1080 = arith.constant 0 : i32
    %swap3A_1081 = arith.index_cast %swap3A_1080 : i32 to index
    %swap3A_1082 = arith.constant 96 : index
    %swap3A_1083 = tpu.vector_load %arg8[%swap3A_1081, %swap3A_1082] {strides = array<i32>} : memref<16x128xf32, #tpu.memory_space<vmem>>, vector<16xf32>,
    tpu.vector_store %arg8[%swap3A_1081, %swap3A_1082], %gather3A_1079 {strides = array<i32>} : memref<16x128xf32, #tpu.memory_space<vmem>>, vector<16xf32>,
    %add3A_1084 = arith.constant 1 : i32
    %add3A_1085 = arith.addi %mul3A_74, %add3A_1084 : i32
    %add3A_1086 = vector.broadcast %add3A_1085 : i32 to vector<16xi32>
    %add3A_1087 = arith.addi %mul3A_1074, %add3A_1086 : vector<16xi32>
    %gather3A_1088 = tpu.vector_load_idx %arg7[%add3A_1066, %add3A_1087] : memref<128x128xf32, #tpu.memory_space<vmem>>[vector<16xi32>, vector<16xi32>], vector<16xf32>,
    %swap3A_1089 = arith.constant 1 : i32
    %swap3A_1090 = arith.index_cast %swap3A_1089 : i32 to index
    %swap3A_1091 = arith.constant 96 : index
    %swap3A_1092 = tpu.vector_load %arg8[%swap3A_1090, %swap3A_1091] {strides = array<i32>} : memref<16x128xf32, #tpu.memory_space<vmem>>, vector<16xf32>,
    tpu.vector_store %arg8[%swap3A_1090, %swap3A_1091], %gather3A_1088 {strides = array<i32>} : memref<16x128xf32, #tpu.memory_space<vmem>>, vector<16xf32>,
    %add3A_1093 = arith.constant 2 : i32
    %add3A_1094 = arith.addi %mul3A_74, %add3A_1093 : i32
    %add3A_1095 = vector.broadcast %add3A_1094 : i32 to vector<16xi32>
    %add3A_1096 = arith.addi %mul3A_1074, %add3A_1095 : vector<16xi32>
    %gather3A_1097 = tpu.vector_load_idx %arg7[%add3A_1066, %add3A_1096] : memref<128x128xf32, #tpu.memory_space<vmem>>[vector<16xi32>, vector<16xi32>], vector<16xf32>,
    %swap3A_1098 = arith.constant 2 : i32
    %swap3A_1099 = arith.index_cast %swap3A_1098 : i32 to index
    %swap3A_1100 = arith.constant 96 : index
    %swap3A_1101 = tpu.vector_load %arg8[%swap3A_1099, %swap3A_1100] {strides = array<i32>} : memref<16x128xf32, #tpu.memory_space<vmem>>, vector<16xf32>,
    tpu.vector_store %arg8[%swap3A_1099, %swap3A_1100], %gather3A_1097 {strides = array<i32>} : memref<16x128xf32, #tpu.memory_space<vmem>>, vector<16xf32>,
    %add3A_1102 = arith.constant 3 : i32
    %add3A_1103 = arith.addi %mul3A_74, %add3A_1102 : i32
    %add3A_1104 = vector.broadcast %add3A_1103 : i32 to vector<16xi32>
    %add3A_1105 = arith.addi %mul3A_1074, %add3A_1104 : vector<16xi32>
    %gather3A_1106 = tpu.vector_load_idx %arg7[%add3A_1066, %add3A_1105] : memref<128x128xf32, #tpu.memory_space<vmem>>[vector<16xi32>, vector<16xi32>], vector<16xf32>,
    %swap3A_1107 = arith.constant 3 : i32
    %swap3A_1108 = arith.index_cast %swap3A_1107 : i32 to index
    %swap3A_1109 = arith.constant 96 : index
    %swap3A_1110 = tpu.vector_load %arg8[%swap3A_1108, %swap3A_1109] {strides = array<i32>} : memref<16x128xf32, #tpu.memory_space<vmem>>, vector<16xf32>,
    tpu.vector_store %arg8[%swap3A_1108, %swap3A_1109], %gather3A_1106 {strides = array<i32>} : memref<16x128xf32, #tpu.memory_space<vmem>>, vector<16xf32>,
    %add3A_1111 = arith.constant 4 : i32
    %add3A_1112 = arith.addi %mul3A_74, %add3A_1111 : i32
    %add3A_1113 = vector.broadcast %add3A_1112 : i32 to vector<16xi32>
    %add3A_1114 = arith.addi %mul3A_1074, %add3A_1113 : vector<16xi32>
    %gather3A_1115 = tpu.vector_load_idx %arg7[%add3A_1066, %add3A_1114] : memref<128x128xf32, #tpu.memory_space<vmem>>[vector<16xi32>, vector<16xi32>], vector<16xf32>,
    %swap3A_1116 = arith.constant 4 : i32
    %swap3A_1117 = arith.index_cast %swap3A_1116 : i32 to index
    %swap3A_1118 = arith.constant 96 : index
    %swap3A_1119 = tpu.vector_load %arg8[%swap3A_1117, %swap3A_1118] {strides = array<i32>} : memref<16x128xf32, #tpu.memory_space<vmem>>, vector<16xf32>,
    tpu.vector_store %arg8[%swap3A_1117, %swap3A_1118], %gather3A_1115 {strides = array<i32>} : memref<16x128xf32, #tpu.memory_space<vmem>>, vector<16xf32>,
    %add3A_1120 = arith.constant 5 : i32
    %add3A_1121 = arith.addi %mul3A_74, %add3A_1120 : i32
    %add3A_1122 = vector.broadcast %add3A_1121 : i32 to vector<16xi32>
    %add3A_1123 = arith.addi %mul3A_1074, %add3A_1122 : vector<16xi32>
    %gather3A_1124 = tpu.vector_load_idx %arg7[%add3A_1066, %add3A_1123] : memref<128x128xf32, #tpu.memory_space<vmem>>[vector<16xi32>, vector<16xi32>], vector<16xf32>,
    %swap3A_1125 = arith.constant 5 : i32
    %swap3A_1126 = arith.index_cast %swap3A_1125 : i32 to index
    %swap3A_1127 = arith.constant 96 : index
    %swap3A_1128 = tpu.vector_load %arg8[%swap3A_1126, %swap3A_1127] {strides = array<i32>} : memref<16x128xf32, #tpu.memory_space<vmem>>, vector<16xf32>,
    tpu.vector_store %arg8[%swap3A_1126, %swap3A_1127], %gather3A_1124 {strides = array<i32>} : memref<16x128xf32, #tpu.memory_space<vmem>>, vector<16xf32>,
    %add3A_1129 = arith.constant 6 : i32
    %add3A_1130 = arith.addi %mul3A_74, %add3A_1129 : i32
    %add3A_1131 = vector.broadcast %add3A_1130 : i32 to vector<16xi32>
    %add3A_1132 = arith.addi %mul3A_1074, %add3A_1131 : vector<16xi32>
    %gather3A_1133 = tpu.vector_load_idx %arg7[%add3A_1066, %add3A_1132] : memref<128x128xf32, #tpu.memory_space<vmem>>[vector<16xi32>, vector<16xi32>], vector<16xf32>,
    %swap3A_1134 = arith.constant 6 : i32
    %swap3A_1135 = arith.index_cast %swap3A_1134 : i32 to index
    %swap3A_1136 = arith.constant 96 : index
    %swap3A_1137 = tpu.vector_load %arg8[%swap3A_1135, %swap3A_1136] {strides = array<i32>} : memref<16x128xf32, #tpu.memory_space<vmem>>, vector<16xf32>,
    tpu.vector_store %arg8[%swap3A_1135, %swap3A_1136], %gather3A_1133 {strides = array<i32>} : memref<16x128xf32, #tpu.memory_space<vmem>>, vector<16xf32>,
    %add3A_1138 = arith.constant 7 : i32
    %add3A_1139 = arith.addi %mul3A_74, %add3A_1138 : i32
    %add3A_1140 = vector.broadcast %add3A_1139 : i32 to vector<16xi32>
    %add3A_1141 = arith.addi %mul3A_1074, %add3A_1140 : vector<16xi32>
    %gather3A_1142 = tpu.vector_load_idx %arg7[%add3A_1066, %add3A_1141] : memref<128x128xf32, #tpu.memory_space<vmem>>[vector<16xi32>, vector<16xi32>], vector<16xf32>,
    %swap3A_1143 = arith.constant 7 : i32
    %swap3A_1144 = arith.index_cast %swap3A_1143 : i32 to index
    %swap3A_1145 = arith.constant 96 : index
    %swap3A_1146 = tpu.vector_load %arg8[%swap3A_1144, %swap3A_1145] {strides = array<i32>} : memref<16x128xf32, #tpu.memory_space<vmem>>, vector<16xf32>,
    tpu.vector_store %arg8[%swap3A_1144, %swap3A_1145], %gather3A_1142 {strides = array<i32>} : memref<16x128xf32, #tpu.memory_space<vmem>>, vector<16xf32>,
    %add3A_1147 = arith.constant 8 : i32
    %add3A_1148 = arith.addi %mul3A_74, %add3A_1147 : i32
    %add3A_1149 = vector.broadcast %add3A_1148 : i32 to vector<16xi32>
    %add3A_1150 = arith.addi %mul3A_1074, %add3A_1149 : vector<16xi32>
    %gather3A_1151 = tpu.vector_load_idx %arg7[%add3A_1066, %add3A_1150] : memref<128x128xf32, #tpu.memory_space<vmem>>[vector<16xi32>, vector<16xi32>], vector<16xf32>,
    %swap3A_1152 = arith.constant 8 : i32
    %swap3A_1153 = arith.index_cast %swap3A_1152 : i32 to index
    %swap3A_1154 = arith.constant 96 : index
    %swap3A_1155 = tpu.vector_load %arg8[%swap3A_1153, %swap3A_1154] {strides = array<i32>} : memref<16x128xf32, #tpu.memory_space<vmem>>, vector<16xf32>,
    tpu.vector_store %arg8[%swap3A_1153, %swap3A_1154], %gather3A_1151 {strides = array<i32>} : memref<16x128xf32, #tpu.memory_space<vmem>>, vector<16xf32>,
    %add3A_1156 = arith.constant 9 : i32
    %add3A_1157 = arith.addi %mul3A_74, %add3A_1156 : i32
    %add3A_1158 = vector.broadcast %add3A_1157 : i32 to vector<16xi32>
    %add3A_1159 = arith.addi %mul3A_1074, %add3A_1158 : vector<16xi32>
    %gather3A_1160 = tpu.vector_load_idx %arg7[%add3A_1066, %add3A_1159] : memref<128x128xf32, #tpu.memory_space<vmem>>[vector<16xi32>, vector<16xi32>], vector<16xf32>,
    %swap3A_1161 = arith.constant 9 : i32
    %swap3A_1162 = arith.index_cast %swap3A_1161 : i32 to index
    %swap3A_1163 = arith.constant 96 : index
    %swap3A_1164 = tpu.vector_load %arg8[%swap3A_1162, %swap3A_1163] {strides = array<i32>} : memref<16x128xf32, #tpu.memory_space<vmem>>, vector<16xf32>,
    tpu.vector_store %arg8[%swap3A_1162, %swap3A_1163], %gather3A_1160 {strides = array<i32>} : memref<16x128xf32, #tpu.memory_space<vmem>>, vector<16xf32>,
    %add3A_1165 = arith.constant 10 : i32
    %add3A_1166 = arith.addi %mul3A_74, %add3A_1165 : i32
    %add3A_1167 = vector.broadcast %add3A_1166 : i32 to vector<16xi32>
    %add3A_1168 = arith.addi %mul3A_1074, %add3A_1167 : vector<16xi32>
    %gather3A_1169 = tpu.vector_load_idx %arg7[%add3A_1066, %add3A_1168] : memref<128x128xf32, #tpu.memory_space<vmem>>[vector<16xi32>, vector<16xi32>], vector<16xf32>,
    %swap3A_1170 = arith.constant 10 : i32
    %swap3A_1171 = arith.index_cast %swap3A_1170 : i32 to index
    %swap3A_1172 = arith.constant 96 : index
    %swap3A_1173 = tpu.vector_load %arg8[%swap3A_1171, %swap3A_1172] {strides = array<i32>} : memref<16x128xf32, #tpu.memory_space<vmem>>, vector<16xf32>,
    tpu.vector_store %arg8[%swap3A_1171, %swap3A_1172], %gather3A_1169 {strides = array<i32>} : memref<16x128xf32, #tpu.memory_space<vmem>>, vector<16xf32>,
    %add3A_1174 = arith.constant 11 : i32
    %add3A_1175 = arith.addi %mul3A_74, %add3A_1174 : i32
    %add3A_1176 = vector.broadcast %add3A_1175 : i32 to vector<16xi32>
    %add3A_1177 = arith.addi %mul3A_1074, %add3A_1176 : vector<16xi32>
    %gather3A_1178 = tpu.vector_load_idx %arg7[%add3A_1066, %add3A_1177] : memref<128x128xf32, #tpu.memory_space<vmem>>[vector<16xi32>, vector<16xi32>], vector<16xf32>,
    %swap3A_1179 = arith.constant 11 : i32
    %swap3A_1180 = arith.index_cast %swap3A_1179 : i32 to index
    %swap3A_1181 = arith.constant 96 : index
    %swap3A_1182 = tpu.vector_load %arg8[%swap3A_1180, %swap3A_1181] {strides = array<i32>} : memref<16x128xf32, #tpu.memory_space<vmem>>, vector<16xf32>,
    tpu.vector_store %arg8[%swap3A_1180, %swap3A_1181], %gather3A_1178 {strides = array<i32>} : memref<16x128xf32, #tpu.memory_space<vmem>>, vector<16xf32>,
    %add3A_1183 = arith.constant 12 : i32
    %add3A_1184 = arith.addi %mul3A_74, %add3A_1183 : i32
    %add3A_1185 = vector.broadcast %add3A_1184 : i32 to vector<16xi32>
    %add3A_1186 = arith.addi %mul3A_1074, %add3A_1185 : vector<16xi32>
    %gather3A_1187 = tpu.vector_load_idx %arg7[%add3A_1066, %add3A_1186] : memref<128x128xf32, #tpu.memory_space<vmem>>[vector<16xi32>, vector<16xi32>], vector<16xf32>,
    %swap3A_1188 = arith.constant 12 : i32
    %swap3A_1189 = arith.index_cast %swap3A_1188 : i32 to index
    %swap3A_1190 = arith.constant 96 : index
    %swap3A_1191 = tpu.vector_load %arg8[%swap3A_1189, %swap3A_1190] {strides = array<i32>} : memref<16x128xf32, #tpu.memory_space<vmem>>, vector<16xf32>,
    tpu.vector_store %arg8[%swap3A_1189, %swap3A_1190], %gather3A_1187 {strides = array<i32>} : memref<16x128xf32, #tpu.memory_space<vmem>>, vector<16xf32>,
    %add3A_1192 = arith.constant 13 : i32
    %add3A_1193 = arith.addi %mul3A_74, %add3A_1192 : i32
    %add3A_1194 = vector.broadcast %add3A_1193 : i32 to vector<16xi32>
    %add3A_1195 = arith.addi %mul3A_1074, %add3A_1194 : vector<16xi32>
    %gather3A_1196 = tpu.vector_load_idx %arg7[%add3A_1066, %add3A_1195] : memref<128x128xf32, #tpu.memory_space<vmem>>[vector<16xi32>, vector<16xi32>], vector<16xf32>,
    %swap3A_1197 = arith.constant 13 : i32
    %swap3A_1198 = arith.index_cast %swap3A_1197 : i32 to index
    %swap3A_1199 = arith.constant 96 : index
    %swap3A_1200 = tpu.vector_load %arg8[%swap3A_1198, %swap3A_1199] {strides = array<i32>} : memref<16x128xf32, #tpu.memory_space<vmem>>, vector<16xf32>,
    tpu.vector_store %arg8[%swap3A_1198, %swap3A_1199], %gather3A_1196 {strides = array<i32>} : memref<16x128xf32, #tpu.memory_space<vmem>>, vector<16xf32>,
    %add3A_1201 = arith.constant 14 : i32
    %add3A_1202 = arith.addi %mul3A_74, %add3A_1201 : i32
    %add3A_1203 = vector.broadcast %add3A_1202 : i32 to vector<16xi32>
    %add3A_1204 = arith.addi %mul3A_1074, %add3A_1203 : vector<16xi32>
    %gather3A_1205 = tpu.vector_load_idx %arg7[%add3A_1066, %add3A_1204] : memref<128x128xf32, #tpu.memory_space<vmem>>[vector<16xi32>, vector<16xi32>], vector<16xf32>,
    %swap3A_1206 = arith.constant 14 : i32
    %swap3A_1207 = arith.index_cast %swap3A_1206 : i32 to index
    %swap3A_1208 = arith.constant 96 : index
    %swap3A_1209 = tpu.vector_load %arg8[%swap3A_1207, %swap3A_1208] {strides = array<i32>} : memref<16x128xf32, #tpu.memory_space<vmem>>, vector<16xf32>,
    tpu.vector_store %arg8[%swap3A_1207, %swap3A_1208], %gather3A_1205 {strides = array<i32>} : memref<16x128xf32, #tpu.memory_space<vmem>>, vector<16xf32>,
    %add3A_1210 = arith.constant 15 : i32
    %add3A_1211 = arith.addi %mul3A_74, %add3A_1210 : i32
    %add3A_1212 = vector.broadcast %add3A_1211 : i32 to vector<16xi32>
    %add3A_1213 = arith.addi %mul3A_1074, %add3A_1212 : vector<16xi32>
    %gather3A_1214 = tpu.vector_load_idx %arg7[%add3A_1066, %add3A_1213] : memref<128x128xf32, #tpu.memory_space<vmem>>[vector<16xi32>, vector<16xi32>], vector<16xf32>,
    %swap3A_1215 = arith.constant 15 : i32
    %swap3A_1216 = arith.index_cast %swap3A_1215 : i32 to index
    %swap3A_1217 = arith.constant 96 : index
    %swap3A_1218 = tpu.vector_load %arg8[%swap3A_1216, %swap3A_1217] {strides = array<i32>} : memref<16x128xf32, #tpu.memory_space<vmem>>, vector<16xf32>,
    tpu.vector_store %arg8[%swap3A_1216, %swap3A_1217], %gather3A_1214 {strides = array<i32>} : memref<16x128xf32, #tpu.memory_space<vmem>>, vector<16xf32>,
    %add3A_1219 = arith.constant 112 : i32
    %add3A_1220 = vector.broadcast %add3A_1219 : i32 to vector<16xi32>
    %add3A_1221 = arith.addi %iota3A, %add3A_1220 : vector<16xi32>
    %get3A_1222 = arith.constant 112 : index
    %get3A_1223 = tpu.vector_load %arg5[%get3A_1222] {strides = array<i32>} : memref<128xi32, #tpu.memory_space<vmem>>, vector<16xi32>,
    %and3A_1224 = arith.constant 1 : i32
    %and3A_1225 = vector.broadcast %and3A_1224 : i32 to vector<16xi32>
    %and3A_1226 = arith.andi %get3A_1223, %and3A_1225 : vector<16xi32>
    %mul3A_1227 = arith.constant 64 : i32
    %mul3A_1228 = vector.broadcast %mul3A_1227 : i32 to vector<16xi32>
    %mul3A_1229 = arith.muli %and3A_1226, %mul3A_1228 : vector<16xi32>
    %add3A_1230 = arith.constant 0 : i32
    %add3A_1231 = arith.addi %mul3A_74, %add3A_1230 : i32
    %add3A_1232 = vector.broadcast %add3A_1231 : i32 to vector<16xi32>
    %add3A_1233 = arith.addi %mul3A_1229, %add3A_1232 : vector<16xi32>
    %gather3A_1234 = tpu.vector_load_idx %arg7[%add3A_1221, %add3A_1233] : memref<128x128xf32, #tpu.memory_space<vmem>>[vector<16xi32>, vector<16xi32>], vector<16xf32>,
    %swap3A_1235 = arith.constant 0 : i32
    %swap3A_1236 = arith.index_cast %swap3A_1235 : i32 to index
    %swap3A_1237 = arith.constant 112 : index
    %swap3A_1238 = tpu.vector_load %arg8[%swap3A_1236, %swap3A_1237] {strides = array<i32>} : memref<16x128xf32, #tpu.memory_space<vmem>>, vector<16xf32>,
    tpu.vector_store %arg8[%swap3A_1236, %swap3A_1237], %gather3A_1234 {strides = array<i32>} : memref<16x128xf32, #tpu.memory_space<vmem>>, vector<16xf32>,
    %add3A_1239 = arith.constant 1 : i32
    %add3A_1240 = arith.addi %mul3A_74, %add3A_1239 : i32
    %add3A_1241 = vector.broadcast %add3A_1240 : i32 to vector<16xi32>
    %add3A_1242 = arith.addi %mul3A_1229, %add3A_1241 : vector<16xi32>
    %gather3A_1243 = tpu.vector_load_idx %arg7[%add3A_1221, %add3A_1242] : memref<128x128xf32, #tpu.memory_space<vmem>>[vector<16xi32>, vector<16xi32>], vector<16xf32>,
    %swap3A_1244 = arith.constant 1 : i32
    %swap3A_1245 = arith.index_cast %swap3A_1244 : i32 to index
    %swap3A_1246 = arith.constant 112 : index
    %swap3A_1247 = tpu.vector_load %arg8[%swap3A_1245, %swap3A_1246] {strides = array<i32>} : memref<16x128xf32, #tpu.memory_space<vmem>>, vector<16xf32>,
    tpu.vector_store %arg8[%swap3A_1245, %swap3A_1246], %gather3A_1243 {strides = array<i32>} : memref<16x128xf32, #tpu.memory_space<vmem>>, vector<16xf32>,
    %add3A_1248 = arith.constant 2 : i32
    %add3A_1249 = arith.addi %mul3A_74, %add3A_1248 : i32
    %add3A_1250 = vector.broadcast %add3A_1249 : i32 to vector<16xi32>
    %add3A_1251 = arith.addi %mul3A_1229, %add3A_1250 : vector<16xi32>
    %gather3A_1252 = tpu.vector_load_idx %arg7[%add3A_1221, %add3A_1251] : memref<128x128xf32, #tpu.memory_space<vmem>>[vector<16xi32>, vector<16xi32>], vector<16xf32>,
    %swap3A_1253 = arith.constant 2 : i32
    %swap3A_1254 = arith.index_cast %swap3A_1253 : i32 to index
    %swap3A_1255 = arith.constant 112 : index
    %swap3A_1256 = tpu.vector_load %arg8[%swap3A_1254, %swap3A_1255] {strides = array<i32>} : memref<16x128xf32, #tpu.memory_space<vmem>>, vector<16xf32>,
    tpu.vector_store %arg8[%swap3A_1254, %swap3A_1255], %gather3A_1252 {strides = array<i32>} : memref<16x128xf32, #tpu.memory_space<vmem>>, vector<16xf32>,
    %add3A_1257 = arith.constant 3 : i32
    %add3A_1258 = arith.addi %mul3A_74, %add3A_1257 : i32
    %add3A_1259 = vector.broadcast %add3A_1258 : i32 to vector<16xi32>
    %add3A_1260 = arith.addi %mul3A_1229, %add3A_1259 : vector<16xi32>
    %gather3A_1261 = tpu.vector_load_idx %arg7[%add3A_1221, %add3A_1260] : memref<128x128xf32, #tpu.memory_space<vmem>>[vector<16xi32>, vector<16xi32>], vector<16xf32>,
    %swap3A_1262 = arith.constant 3 : i32
    %swap3A_1263 = arith.index_cast %swap3A_1262 : i32 to index
    %swap3A_1264 = arith.constant 112 : index
    %swap3A_1265 = tpu.vector_load %arg8[%swap3A_1263, %swap3A_1264] {strides = array<i32>} : memref<16x128xf32, #tpu.memory_space<vmem>>, vector<16xf32>,
    tpu.vector_store %arg8[%swap3A_1263, %swap3A_1264], %gather3A_1261 {strides = array<i32>} : memref<16x128xf32, #tpu.memory_space<vmem>>, vector<16xf32>,
    %add3A_1266 = arith.constant 4 : i32
    %add3A_1267 = arith.addi %mul3A_74, %add3A_1266 : i32
    %add3A_1268 = vector.broadcast %add3A_1267 : i32 to vector<16xi32>
    %add3A_1269 = arith.addi %mul3A_1229, %add3A_1268 : vector<16xi32>
    %gather3A_1270 = tpu.vector_load_idx %arg7[%add3A_1221, %add3A_1269] : memref<128x128xf32, #tpu.memory_space<vmem>>[vector<16xi32>, vector<16xi32>], vector<16xf32>,
    %swap3A_1271 = arith.constant 4 : i32
    %swap3A_1272 = arith.index_cast %swap3A_1271 : i32 to index
    %swap3A_1273 = arith.constant 112 : index
    %swap3A_1274 = tpu.vector_load %arg8[%swap3A_1272, %swap3A_1273] {strides = array<i32>} : memref<16x128xf32, #tpu.memory_space<vmem>>, vector<16xf32>,
    tpu.vector_store %arg8[%swap3A_1272, %swap3A_1273], %gather3A_1270 {strides = array<i32>} : memref<16x128xf32, #tpu.memory_space<vmem>>, vector<16xf32>,
    %add3A_1275 = arith.constant 5 : i32
    %add3A_1276 = arith.addi %mul3A_74, %add3A_1275 : i32
    %add3A_1277 = vector.broadcast %add3A_1276 : i32 to vector<16xi32>
    %add3A_1278 = arith.addi %mul3A_1229, %add3A_1277 : vector<16xi32>
    %gather3A_1279 = tpu.vector_load_idx %arg7[%add3A_1221, %add3A_1278] : memref<128x128xf32, #tpu.memory_space<vmem>>[vector<16xi32>, vector<16xi32>], vector<16xf32>,
    %swap3A_1280 = arith.constant 5 : i32
    %swap3A_1281 = arith.index_cast %swap3A_1280 : i32 to index
    %swap3A_1282 = arith.constant 112 : index
    %swap3A_1283 = tpu.vector_load %arg8[%swap3A_1281, %swap3A_1282] {strides = array<i32>} : memref<16x128xf32, #tpu.memory_space<vmem>>, vector<16xf32>,
    tpu.vector_store %arg8[%swap3A_1281, %swap3A_1282], %gather3A_1279 {strides = array<i32>} : memref<16x128xf32, #tpu.memory_space<vmem>>, vector<16xf32>,
    %add3A_1284 = arith.constant 6 : i32
    %add3A_1285 = arith.addi %mul3A_74, %add3A_1284 : i32
    %add3A_1286 = vector.broadcast %add3A_1285 : i32 to vector<16xi32>
    %add3A_1287 = arith.addi %mul3A_1229, %add3A_1286 : vector<16xi32>
    %gather3A_1288 = tpu.vector_load_idx %arg7[%add3A_1221, %add3A_1287] : memref<128x128xf32, #tpu.memory_space<vmem>>[vector<16xi32>, vector<16xi32>], vector<16xf32>,
    %swap3A_1289 = arith.constant 6 : i32
    %swap3A_1290 = arith.index_cast %swap3A_1289 : i32 to index
    %swap3A_1291 = arith.constant 112 : index
    %swap3A_1292 = tpu.vector_load %arg8[%swap3A_1290, %swap3A_1291] {strides = array<i32>} : memref<16x128xf32, #tpu.memory_space<vmem>>, vector<16xf32>,
    tpu.vector_store %arg8[%swap3A_1290, %swap3A_1291], %gather3A_1288 {strides = array<i32>} : memref<16x128xf32, #tpu.memory_space<vmem>>, vector<16xf32>,
    %add3A_1293 = arith.constant 7 : i32
    %add3A_1294 = arith.addi %mul3A_74, %add3A_1293 : i32
    %add3A_1295 = vector.broadcast %add3A_1294 : i32 to vector<16xi32>
    %add3A_1296 = arith.addi %mul3A_1229, %add3A_1295 : vector<16xi32>
    %gather3A_1297 = tpu.vector_load_idx %arg7[%add3A_1221, %add3A_1296] : memref<128x128xf32, #tpu.memory_space<vmem>>[vector<16xi32>, vector<16xi32>], vector<16xf32>,
    %swap3A_1298 = arith.constant 7 : i32
    %swap3A_1299 = arith.index_cast %swap3A_1298 : i32 to index
    %swap3A_1300 = arith.constant 112 : index
    %swap3A_1301 = tpu.vector_load %arg8[%swap3A_1299, %swap3A_1300] {strides = array<i32>} : memref<16x128xf32, #tpu.memory_space<vmem>>, vector<16xf32>,
    tpu.vector_store %arg8[%swap3A_1299, %swap3A_1300], %gather3A_1297 {strides = array<i32>} : memref<16x128xf32, #tpu.memory_space<vmem>>, vector<16xf32>,
    %add3A_1302 = arith.constant 8 : i32
    %add3A_1303 = arith.addi %mul3A_74, %add3A_1302 : i32
    %add3A_1304 = vector.broadcast %add3A_1303 : i32 to vector<16xi32>
    %add3A_1305 = arith.addi %mul3A_1229, %add3A_1304 : vector<16xi32>
    %gather3A_1306 = tpu.vector_load_idx %arg7[%add3A_1221, %add3A_1305] : memref<128x128xf32, #tpu.memory_space<vmem>>[vector<16xi32>, vector<16xi32>], vector<16xf32>,
    %swap3A_1307 = arith.constant 8 : i32
    %swap3A_1308 = arith.index_cast %swap3A_1307 : i32 to index
    %swap3A_1309 = arith.constant 112 : index
    %swap3A_1310 = tpu.vector_load %arg8[%swap3A_1308, %swap3A_1309] {strides = array<i32>} : memref<16x128xf32, #tpu.memory_space<vmem>>, vector<16xf32>,
    tpu.vector_store %arg8[%swap3A_1308, %swap3A_1309], %gather3A_1306 {strides = array<i32>} : memref<16x128xf32, #tpu.memory_space<vmem>>, vector<16xf32>,
    %add3A_1311 = arith.constant 9 : i32
    %add3A_1312 = arith.addi %mul3A_74, %add3A_1311 : i32
    %add3A_1313 = vector.broadcast %add3A_1312 : i32 to vector<16xi32>
    %add3A_1314 = arith.addi %mul3A_1229, %add3A_1313 : vector<16xi32>
    %gather3A_1315 = tpu.vector_load_idx %arg7[%add3A_1221, %add3A_1314] : memref<128x128xf32, #tpu.memory_space<vmem>>[vector<16xi32>, vector<16xi32>], vector<16xf32>,
    %swap3A_1316 = arith.constant 9 : i32
    %swap3A_1317 = arith.index_cast %swap3A_1316 : i32 to index
    %swap3A_1318 = arith.constant 112 : index
    %swap3A_1319 = tpu.vector_load %arg8[%swap3A_1317, %swap3A_1318] {strides = array<i32>} : memref<16x128xf32, #tpu.memory_space<vmem>>, vector<16xf32>,
    tpu.vector_store %arg8[%swap3A_1317, %swap3A_1318], %gather3A_1315 {strides = array<i32>} : memref<16x128xf32, #tpu.memory_space<vmem>>, vector<16xf32>,
    %add3A_1320 = arith.constant 10 : i32
    %add3A_1321 = arith.addi %mul3A_74, %add3A_1320 : i32
    %add3A_1322 = vector.broadcast %add3A_1321 : i32 to vector<16xi32>
    %add3A_1323 = arith.addi %mul3A_1229, %add3A_1322 : vector<16xi32>
    %gather3A_1324 = tpu.vector_load_idx %arg7[%add3A_1221, %add3A_1323] : memref<128x128xf32, #tpu.memory_space<vmem>>[vector<16xi32>, vector<16xi32>], vector<16xf32>,
    %swap3A_1325 = arith.constant 10 : i32
    %swap3A_1326 = arith.index_cast %swap3A_1325 : i32 to index
    %swap3A_1327 = arith.constant 112 : index
    %swap3A_1328 = tpu.vector_load %arg8[%swap3A_1326, %swap3A_1327] {strides = array<i32>} : memref<16x128xf32, #tpu.memory_space<vmem>>, vector<16xf32>,
    tpu.vector_store %arg8[%swap3A_1326, %swap3A_1327], %gather3A_1324 {strides = array<i32>} : memref<16x128xf32, #tpu.memory_space<vmem>>, vector<16xf32>,
    %add3A_1329 = arith.constant 11 : i32
    %add3A_1330 = arith.addi %mul3A_74, %add3A_1329 : i32
    %add3A_1331 = vector.broadcast %add3A_1330 : i32 to vector<16xi32>
    %add3A_1332 = arith.addi %mul3A_1229, %add3A_1331 : vector<16xi32>
    %gather3A_1333 = tpu.vector_load_idx %arg7[%add3A_1221, %add3A_1332] : memref<128x128xf32, #tpu.memory_space<vmem>>[vector<16xi32>, vector<16xi32>], vector<16xf32>,
    %swap3A_1334 = arith.constant 11 : i32
    %swap3A_1335 = arith.index_cast %swap3A_1334 : i32 to index
    %swap3A_1336 = arith.constant 112 : index
    %swap3A_1337 = tpu.vector_load %arg8[%swap3A_1335, %swap3A_1336] {strides = array<i32>} : memref<16x128xf32, #tpu.memory_space<vmem>>, vector<16xf32>,
    tpu.vector_store %arg8[%swap3A_1335, %swap3A_1336], %gather3A_1333 {strides = array<i32>} : memref<16x128xf32, #tpu.memory_space<vmem>>, vector<16xf32>,
    %add3A_1338 = arith.constant 12 : i32
    %add3A_1339 = arith.addi %mul3A_74, %add3A_1338 : i32
    %add3A_1340 = vector.broadcast %add3A_1339 : i32 to vector<16xi32>
    %add3A_1341 = arith.addi %mul3A_1229, %add3A_1340 : vector<16xi32>
    %gather3A_1342 = tpu.vector_load_idx %arg7[%add3A_1221, %add3A_1341] : memref<128x128xf32, #tpu.memory_space<vmem>>[vector<16xi32>, vector<16xi32>], vector<16xf32>,
    %swap3A_1343 = arith.constant 12 : i32
    %swap3A_1344 = arith.index_cast %swap3A_1343 : i32 to index
    %swap3A_1345 = arith.constant 112 : index
    %swap3A_1346 = tpu.vector_load %arg8[%swap3A_1344, %swap3A_1345] {strides = array<i32>} : memref<16x128xf32, #tpu.memory_space<vmem>>, vector<16xf32>,
    tpu.vector_store %arg8[%swap3A_1344, %swap3A_1345], %gather3A_1342 {strides = array<i32>} : memref<16x128xf32, #tpu.memory_space<vmem>>, vector<16xf32>,
    %add3A_1347 = arith.constant 13 : i32
    %add3A_1348 = arith.addi %mul3A_74, %add3A_1347 : i32
    %add3A_1349 = vector.broadcast %add3A_1348 : i32 to vector<16xi32>
    %add3A_1350 = arith.addi %mul3A_1229, %add3A_1349 : vector<16xi32>
    %gather3A_1351 = tpu.vector_load_idx %arg7[%add3A_1221, %add3A_1350] : memref<128x128xf32, #tpu.memory_space<vmem>>[vector<16xi32>, vector<16xi32>], vector<16xf32>,
    %swap3A_1352 = arith.constant 13 : i32
    %swap3A_1353 = arith.index_cast %swap3A_1352 : i32 to index
    %swap3A_1354 = arith.constant 112 : index
    %swap3A_1355 = tpu.vector_load %arg8[%swap3A_1353, %swap3A_1354] {strides = array<i32>} : memref<16x128xf32, #tpu.memory_space<vmem>>, vector<16xf32>,
    tpu.vector_store %arg8[%swap3A_1353, %swap3A_1354], %gather3A_1351 {strides = array<i32>} : memref<16x128xf32, #tpu.memory_space<vmem>>, vector<16xf32>,
    %add3A_1356 = arith.constant 14 : i32
    %add3A_1357 = arith.addi %mul3A_74, %add3A_1356 : i32
    %add3A_1358 = vector.broadcast %add3A_1357 : i32 to vector<16xi32>
    %add3A_1359 = arith.addi %mul3A_1229, %add3A_1358 : vector<16xi32>
    %gather3A_1360 = tpu.vector_load_idx %arg7[%add3A_1221, %add3A_1359] : memref<128x128xf32, #tpu.memory_space<vmem>>[vector<16xi32>, vector<16xi32>], vector<16xf32>,
    %swap3A_1361 = arith.constant 14 : i32
    %swap3A_1362 = arith.index_cast %swap3A_1361 : i32 to index
    %swap3A_1363 = arith.constant 112 : index
    %swap3A_1364 = tpu.vector_load %arg8[%swap3A_1362, %swap3A_1363] {strides = array<i32>} : memref<16x128xf32, #tpu.memory_space<vmem>>, vector<16xf32>,
    tpu.vector_store %arg8[%swap3A_1362, %swap3A_1363], %gather3A_1360 {strides = array<i32>} : memref<16x128xf32, #tpu.memory_space<vmem>>, vector<16xf32>,
    %add3A_1365 = arith.constant 15 : i32
    %add3A_1366 = arith.addi %mul3A_74, %add3A_1365 : i32
    %add3A_1367 = vector.broadcast %add3A_1366 : i32 to vector<16xi32>
    %add3A_1368 = arith.addi %mul3A_1229, %add3A_1367 : vector<16xi32>
    %gather3A_1369 = tpu.vector_load_idx %arg7[%add3A_1221, %add3A_1368] : memref<128x128xf32, #tpu.memory_space<vmem>>[vector<16xi32>, vector<16xi32>], vector<16xf32>,
    %swap3A_1370 = arith.constant 15 : i32
    %swap3A_1371 = arith.index_cast %swap3A_1370 : i32 to index
    %swap3A_1372 = arith.constant 112 : index
    %swap3A_1373 = tpu.vector_load %arg8[%swap3A_1371, %swap3A_1372] {strides = array<i32>} : memref<16x128xf32, #tpu.memory_space<vmem>>, vector<16xf32>,
    tpu.vector_store %arg8[%swap3A_1371, %swap3A_1372], %gather3A_1369 {strides = array<i32>} : memref<16x128xf32, #tpu.memory_space<vmem>>, vector<16xf32>,
    "tpu.region"() ({
      %run_scoped3A = tpu.sem_alloc : memref<!tpu.dma_semaphore, #tpu.memory_space<semaphore_mem>>
      %dma_start3A_1374 = tpu.memref_slice %arg4[%select_n3A, %mul3A_74, %mul3A_56] : memref<4x64x256xf32, #tpu.memory_space<hbm>> -> memref<1x16x128xf32, #tpu.memory_space<hbm>>
      %dma_start3A_1375 = tpu.memref_squeeze %dma_start3A_1374 : memref<1x16x128xf32, #tpu.memory_space<hbm>> -> memref<16x128xf32, #tpu.memory_space<hbm>>
      %dma_start3A_1376 = tpu.memref_slice %arg4[%select_n3A, %mul3A_74, %mul3A_56] : memref<4x64x256xf32, #tpu.memory_space<hbm>> -> memref<1x16x128xf32, #tpu.memory_space<hbm>>
      %dma_start3A_1377 = tpu.memref_squeeze %dma_start3A_1376 : memref<1x16x128xf32, #tpu.memory_space<hbm>> -> memref<16x128xf32, #tpu.memory_space<hbm>>
      tpu.enqueue_dma source(%arg8 : memref<16x128xf32, #tpu.memory_space<vmem>>) target(%dma_start3A_1377 : memref<16x128xf32, #tpu.memory_space<hbm>>) target_semaphore(%run_scoped3A : memref<!tpu.dma_semaphore, #tpu.memory_space<semaphore_mem>>)
      %dma_wait3A_1378 = tpu.memref_slice %arg4[%select_n3A, %mul3A_74, %mul3A_56] : memref<4x64x256xf32, #tpu.memory_space<hbm>> -> memref<1x16x128xf32, #tpu.memory_space<hbm>>
      %dma_wait3A_1379 = tpu.memref_squeeze %dma_wait3A_1378 : memref<1x16x128xf32, #tpu.memory_space<hbm>> -> memref<16x128xf32, #tpu.memory_space<hbm>>
      %dma_wait3A_1380 = tpu.memref_slice %arg4[%select_n3A, %mul3A_74, %mul3A_56] : memref<4x64x256xf32, #tpu.memory_space<hbm>> -> memref<1x16x128xf32, #tpu.memory_space<hbm>>
      %dma_wait3A_1381 = tpu.memref_squeeze %dma_wait3A_1380 : memref<1x16x128xf32, #tpu.memory_space<hbm>> -> memref<16x128xf32, #tpu.memory_space<hbm>>
      tpu.wait_dma2 semaphore(%run_scoped3A : memref<!tpu.dma_semaphore, #tpu.memory_space<semaphore_mem>>) src(%arg8 : memref<16x128xf32, #tpu.memory_space<vmem>>) dst(%dma_wait3A_1381 : memref<16x128xf32, #tpu.memory_space<hbm>>)
      tpu.yield
    }) : () -> ()
    return
  }
}

module attributes {stable_mosaic.version = 14 : i64} {
  func.func @_tc_body(%arg0: i32, %arg1: memref<1x192x256xf32, #tpu.memory_space<vmem>>, %arg2: memref<64x192xf32, #tpu.memory_space<vmem>>, %arg3: memref<64x1xf32, #tpu.memory_space<vmem>>, %arg4: memref<1024x64xf32, #tpu.memory_space<vmem>>, %arg5: memref<1x64x256xf32, #tpu.memory_space<vmem>>, %arg6: memref<1x1x256xi32, #tpu.memory_space<vmem>>) attributes {dimension_semantics = [#tpu.dimension_semantics<arbitrary>], iteration_bounds = array<i64: 4>, scalar_prefetch = 0 : i64, scratch_operands = 0 : i64, tpu.core_type = #tpu.core_type<tc>, window_params = [{transform_indices = @transform_0, window_bounds = array<i64: 1, 192, 256>}, {pipeline_mode = #tpu.pipeline_mode<synchronous>, transform_indices = @transform_1, window_bounds = array<i64: 64, 192>}, {pipeline_mode = #tpu.pipeline_mode<synchronous>, transform_indices = @transform_2, window_bounds = array<i64: 64, 1>}, {pipeline_mode = #tpu.pipeline_mode<synchronous>, transform_indices = @transform_3, window_bounds = array<i64: 1024, 64>}, {transform_indices = @transform_4, window_bounds = array<i64: 1, 64, 256>}, {transform_indices = @transform_5, window_bounds = array<i64: 1, 1, 256>}]} {
    %get3A = arith.constant 0 : index
    %get3A_0 = arith.constant 0 : index
    %get3A_1 = arith.constant 0 : index
    %get3A_2 = vector.load %arg1[%get3A, %get3A_0, %get3A_1] : memref<1x192x256xf32, #tpu.memory_space<vmem>>, vector<1x192x256xf32>
    %get3A_3 = vector.shape_cast %get3A_2 : vector<1x192x256xf32> to vector<192x256xf32>
    %get3A_4 = arith.constant 0 : index
    %get3A_5 = arith.constant 0 : index
    %get3A_6 = vector.load %arg2[%get3A_4, %get3A_5] : memref<64x192xf32, #tpu.memory_space<vmem>>, vector<64x192xf32>
    %dot_general3A = arith.constant dense<0.000000e+00> : vector<64x256xf32>
    %dot_general3A_7 = tpu.matmul %get3A_6, %get3A_3, %dot_general3A {dimension_numbers = #tpu.dot_dimension_numbers<[1], [0], [0], [1], [0, 0, 1, 1], [], []>, transpose_lhs_hint = false} : vector<64x192xf32>, vector<192x256xf32>, vector<64x256xf32> -> vector<64x256xf32>
    %get3A_8 = arith.constant 0 : index
    %get3A_9 = arith.constant 0 : index
    %get3A_10 = vector.load %arg3[%get3A_8, %get3A_9] : memref<64x1xf32, #tpu.memory_space<vmem>>, vector<64x1xf32>
    %add3A = vector.broadcast %get3A_10 : vector<64x1xf32> to vector<64x256xf32>
    %add3A_11 = arith.addf %dot_general3A_7, %add3A : vector<64x256xf32>
    %get3A_12 = arith.constant 0 : index
    %get3A_13 = arith.constant 0 : index
    %get3A_14 = vector.load %arg4[%get3A_12, %get3A_13] : memref<1024x64xf32, #tpu.memory_space<vmem>>, vector<1024x64xf32>
    %dot_general3A_15 = arith.constant dense<0.000000e+00> : vector<1024x256xf32>
    %dot_general3A_16 = tpu.matmul %get3A_14, %add3A_11, %dot_general3A_15 {dimension_numbers = #tpu.dot_dimension_numbers<[1], [0], [0], [1], [0, 0, 1, 1], [], []>, precision = #tpu.contract_precision<fp32>, transpose_lhs_hint = false} : vector<1024x64xf32>, vector<64x256xf32>, vector<1024x256xf32> -> vector<1024x256xf32>
    %mul3A = arith.mulf %get3A_14, %get3A_14 : vector<1024x64xf32>
    %reduce_sum3A = arith.constant dense<0.000000e+00> : vector<1024xf32>
    %reduce_sum3A_17 = vector.multi_reduction <add>, %mul3A, %reduce_sum3A [1] : vector<1024x64xf32> to vector<1024xf32>
    %broadcast_in_dim3A = vector.shape_cast %reduce_sum3A_17 : vector<1024xf32> to vector<1024x1xf32>
    %mul3A_18 = arith.constant 2.000000e+00 : f32
    %mul3A_19 = vector.broadcast %mul3A_18 : f32 to vector<1024x256xf32>
    %mul3A_20 = arith.mulf %mul3A_19, %dot_general3A_16 : vector<1024x256xf32>
    %sub3A = vector.broadcast %broadcast_in_dim3A : vector<1024x1xf32> to vector<1024x256xf32>
    %sub3A_21 = arith.subf %sub3A, %mul3A_20 : vector<1024x256xf32>
    %reduce_min3A = arith.constant dense<0x7F800000> : vector<256xf32>
    %reduce_min3A_22 = vector.multi_reduction <minimumf>, %sub3A_21, %reduce_min3A [0] : vector<1024x256xf32> to vector<256xf32>
    %broadcast_in_dim3A_23 = vector.shape_cast %reduce_min3A_22 : vector<256xf32> to vector<1x256xf32>
    %iota3A = tpu.iota {dimensions = array<i32: 0>} : vector<1024x256xi32>
    %eq3A = vector.broadcast %broadcast_in_dim3A_23 : vector<1x256xf32> to vector<1024x256xf32>
    %eq3A_24 = arith.cmpf oeq, %sub3A_21, %eq3A : vector<1024x256xf32>
    %jit3A = arith.constant 1024 : i32
    %broadcast_in_dim3A_25 = vector.broadcast %jit3A : i32 to vector<1024x256xi32>
    %select_n3A = arith.select %eq3A_24, %iota3A, %broadcast_in_dim3A_25 : vector<1024x256xi1>, vector<1024x256xi32>
    %reduce_min3A_26 = arith.constant dense<2147483647> : vector<256xi32>
    %reduce_min3A_27 = vector.multi_reduction <minsi>, %select_n3A, %reduce_min3A_26 [0] : vector<1024x256xi32> to vector<256xi32>
    %broadcast_in_dim3A_28 = vector.shape_cast %reduce_min3A_27 : vector<256xi32> to vector<1x256xi32>
    %swap3A = arith.constant 0 : index
    %swap3A_29 = arith.constant 0 : index
    %swap3A_30 = arith.constant 0 : index
    %swap3A_31 = vector.load %arg6[%swap3A, %swap3A_29, %swap3A_30] : memref<1x1x256xi32, #tpu.memory_space<vmem>>, vector<1x1x256xi32>
    %swap3A_32 = vector.shape_cast %swap3A_31 : vector<1x1x256xi32> to vector<1x256xi32>
    %swap3A_33 = vector.shape_cast %broadcast_in_dim3A_28 : vector<1x256xi32> to vector<1x1x256xi32>
    tpu.vector_store %arg6[%swap3A, %swap3A_29, %swap3A_30], %swap3A_33 {strides = array<i32>} : memref<1x1x256xi32, #tpu.memory_space<vmem>>, vector<1x1x256xi32>,
    %swap3A_34 = arith.constant 0 : index
    %swap3A_35 = arith.constant 0 : index
    %swap3A_36 = arith.constant 0 : index
    %swap3A_37 = vector.load %arg5[%swap3A_34, %swap3A_35, %swap3A_36] : memref<1x64x256xf32, #tpu.memory_space<vmem>>, vector<1x64x256xf32>
    %swap3A_38 = vector.shape_cast %swap3A_37 : vector<1x64x256xf32> to vector<64x256xf32>
    %swap3A_39 = vector.shape_cast %add3A_11 : vector<64x256xf32> to vector<1x64x256xf32>
    tpu.vector_store %arg5[%swap3A_34, %swap3A_35, %swap3A_36], %swap3A_39 {strides = array<i32>} : memref<1x64x256xf32, #tpu.memory_space<vmem>>, vector<1x64x256xf32>,
    return
  }
  func.func @transform_0(%arg0: i32) -> (i32, i32, i32) {
    %c0_i32 = arith.constant 0 : i32
    %c0_i32_0 = arith.constant 0 : i32
    %c0_i32_1 = arith.constant 0 : i32
    return %arg0, %c0_i32, %c0_i32_0 : i32, i32, i32
  }
  func.func @transform_1(%arg0: i32) -> (i32, i32) {
    %c0_i32 = arith.constant 0 : i32
    %c0_i32_0 = arith.constant 0 : i32
    %c0_i32_1 = arith.constant 0 : i32
    return %c0_i32, %c0_i32_0 : i32, i32
  }
  func.func @transform_2(%arg0: i32) -> (i32, i32) {
    %c0_i32 = arith.constant 0 : i32
    %c0_i32_0 = arith.constant 0 : i32
    %c0_i32_1 = arith.constant 0 : i32
    return %c0_i32, %c0_i32_0 : i32, i32
  }
  func.func @transform_3(%arg0: i32) -> (i32, i32) {
    %c0_i32 = arith.constant 0 : i32
    %c0_i32_0 = arith.constant 0 : i32
    %c0_i32_1 = arith.constant 0 : i32
    return %c0_i32, %c0_i32_0 : i32, i32
  }
  func.func @transform_4(%arg0: i32) -> (i32, i32, i32) {
    %c0_i32 = arith.constant 0 : i32
    %c0_i32_0 = arith.constant 0 : i32
    %c0_i32_1 = arith.constant 0 : i32
    return %arg0, %c0_i32, %c0_i32_0 : i32, i32, i32
  }
  func.func @transform_5(%arg0: i32) -> (i32, i32, i32) {
    %c0_i32 = arith.constant 0 : i32
    %c0_i32_0 = arith.constant 0 : i32
    %c0_i32_1 = arith.constant 0 : i32
    return %arg0, %c0_i32, %c0_i32_0 : i32, i32, i32
  }
}

</mosaic_0001>

<sc_bundles>
// kernel: kernel.4.cloned.1.call-start
scs
__scs_entry_jumppad:
0x0: {  	(pc) =	sbr.rel $0x88, $3  }
0x1: {  	(tag) =	ssettag $0x0;
	lr =	simm.s32 $0x1  }
0x2: {  	[smem:$0x3F9D] =	sst lr;
	_ =	strace $0xD0000000  }
0x3: {  	_ = 	snop  }
0x4: {  	_ = 	snop  }
0x5: {  	_ = 	snop  }
0x6: {  	_ = 	snop  }
0x7: {  	_ = 	snop  }
__scs_overlays_trampoline_lowered:
0x8: {  	[smem:$0x3FAC] =	sst s0  }
0x9: {  	[smem:$0x3FAD] =	sst s1  }
0xa: {  	[smem:$0x3FAE] =	sst s2  }
0xb: {  	[smem:$0x3FAF] =	sst s3  }
0xc: {  	[smem:$0x3FB0] =	sst s4  }
0xd: {  	[smem:$0x3FB1] =	sst s5  }
0xe: {  	[smem:$0x3FB2] =	sst s6  }
0xf: {  	[smem:$0x3FB3] =	sst s7  }
0x10: {  	[smem:$0x3FB4] =	sst s8  }
0x11: {  	[smem:$0x3FB5] =	sst s9;
	s0 =	simm.s32 @!p0 $0x0  }
0x12: {  	s1 =	sld [smem:$0x3F9B];
	s0 =	simm.s32 @p0 $0x1  }
0x13: {  	[smem:$0x3FB6] =	sst s0;
	s0 =	simm.s32 @!p1 $0x0  }
0x14: {  	s2 =	sld [smem:$0x3F9A];
	s0 =	simm.s32 @p1 $0x1  }
0x15: {  	[smem:$0x3FB7] =	sst s0;
	s0 =	simm.s32 @!p2 $0x0  }
0x16: {  	s3 =	sld [smem:$0x3FDB];
	s0 =	simm.s32 @p2 $0x1  }
0x17: {  	s4 =	simm.s32 $0x1BF5;
	[smem:$0x3FB9] =	sst s0  }
0x18: {  	s0 =	sld [smem:$0x3F9C];
	_ =	swait.ge [sflag:s4], $0x0  }
0x19: {  	s7 =	sld [smem:$0x3F9D]  }
0x1a: {  	s8 =	sadd.s32 $0xFFFFE003, lr  }
0x1b: {  	s9 =	sadd.s32 $0xFFFFFEF7, lr;
	s5 =	simm.s32 $0xFFFFFFFF;
	p2 =	slt.u32 s8, $0xFFFFF086  }
0x1c: {  	p1 =	slt.u32 s9, $0xF7A;
	s5 =	simm.s32 @!p2 $0x0  }
0x1d: {  	s5 =	simm.s32 @p1 $0x1;
	p0 =	seq.s32 s7, s2  }
0x1e: {  	s7 =	smul.u32 @!p0 $0xF7A, s2;
	p2 =	seq.s32 @!p0 s5, $0x0  }
0x1f: {  	s9 =	smul.u32 $0xF7A, s1;
	s8 =	simm.s32 @!p0 $0x1BF5;
	p2 =	por !p2, p0  }
0x20: {  	[sflag:s8] =	ssyncset.s32 @!p0 $0xFFFFF086;
	s6 =	sadd.s32 @!p0 s3, s7;
	s7 =	simm.s32 @!p0 $0x108  }
0x21: {  	s3 =	sadd.s32 s3, s9;
	s6 =	sadd.s32 @!p0 $0x88, s6;
	s7 =	simm.s32 @p2 $0x1082  }
0x22: {  	[simem:s7], [sflag:s8] =	dma.local @!p0 [hbm:s6], $0xF7A  }
0x23: {  	s9 =	sor.u32 $0xD0000000, s2;
	s6 =	simm.s32 $0x108;
	_ =	swait.ge @!p0 [sflag:s8], $0x0  }
0x24: {  	s3 =	sadd.s32 $0x88, s3;
	s6 =	simm.s32 @!p1 $0x1082;
	[sflag:s4] =	ssyncset.s32 $0xFFFFF086  }
0x25: {  	[simem:s6], [sflag:s4] =	dma.local [hbm:s3], $0xF7A  }
0x26: {  	[smem:$0x3F9D] =	sst s1;
	(tag) =	ssettag s2;
	_ =	strace s9  }
0x27: {  	s1 =	sld [smem:$0x3FAD]  }
0x28: {  	s2 =	sld [smem:$0x3FAE]  }
0x29: {  	s4 =	sld [smem:$0x3FB0]  }
0x2a: {  	p0 =	seq.s32 s5, $0x0;
	s5 =	sld [smem:$0x3FB1]  }
0x2b: {  	s6 =	sld [smem:$0x3FB2]  }
0x2c: {  	s7 =	sld [smem:$0x3FB3]  }
0x2d: {  	s3 =	simm.s32 $0x108;
	s8 =	sld [smem:$0x3FB4]  }
0x2e: {  	s3 =	simm.s32 @!p0 $0x1082;
	s9 =	sld [smem:$0x3FB5]  }
0x2f: {  	lr =	sadd.s32 s0, s3;
	s0 =	sld [smem:$0x3FAC]  }
0x30: {  	s3 =	sld [smem:$0x3FAF]  }
0x31: {  	[smem:$0x3FB8] =	sst s10  }
0x32: {  	s10 =	sld [smem:$0x3FB6];
	_ =	sdelay $0x3  }
0x33: {  	p0 =	seq.s32 s10, $0x1;
	s10 =	sld [smem:$0x3FB8];
	_ =	sdelay $0x3  }
0x34: {  	[smem:$0x3FB8] =	sst s10  }
0x35: {  	s10 =	sld [smem:$0x3FB7];
	_ =	sdelay $0x3  }
0x36: {  	p1 =	seq.s32 s10, $0x1;
	s10 =	sld [smem:$0x3FB8];
	_ =	sdelay $0x3  }
0x37: {  	[smem:$0x3FB8] =	sst s10  }
0x38: {  	s10 =	sld [smem:$0x3FB9]  }
0x39: {  	_ = 	snop;
	(pc) =	sbr.ind lr, $3  }
0x3a: {  	_ = 	snop  }
0x3b: {  	_ = 	snop  }
0x3c: {  	p2 =	seq.s32 s10, $0x1;
	s10 =	sld [smem:$0x3FB8]  }
0x3d: {  	_ =	shalt  }
0x3e: {  	_ =	shalt  }
0x3f: {  	_ =	shalt  }
0x40: {  	_ =	shalt  }
0x41: {  	_ =	shalt  }
0x42: {  	_ =	shalt  }
0x43: {  	_ =	shalt  }
0x44: {  	_ =	shalt  }
0x45: {  	_ =	shalt  }
0x46: {  	_ =	shalt  }
0x47: {  	_ =	shalt  }
0x48: {  	_ =	shalt  }
0x49: {  	_ =	shalt  }
0x4a: {  	_ =	shalt  }
0x4b: {  	_ =	shalt  }
0x4c: {  	_ =	shalt  }
0x4d: {  	_ =	shalt  }
0x4e: {  	_ =	shalt  }
0x4f: {  	_ =	shalt  }
0x50: {  	_ =	shalt  }
0x51: {  	_ =	shalt  }
0x52: {  	_ =	shalt  }
0x53: {  	_ =	shalt  }
0x54: {  	_ =	shalt  }
0x55: {  	_ =	shalt  }
0x56: {  	_ =	shalt  }
0x57: {  	_ =	shalt  }
0x58: {  	_ =	shalt  }
0x59: {  	_ =	shalt  }
0x5a: {  	_ =	shalt  }
0x5b: {  	_ =	shalt  }
0x5c: {  	_ =	shalt  }
0x5d: {  	_ =	shalt  }
0x5e: {  	_ =	shalt  }
0x5f: {  	_ =	shalt  }
0x60: {  	_ =	shalt  }
0x61: {  	_ =	shalt  }
0x62: {  	_ =	shalt  }
0x63: {  	_ =	shalt  }
0x64: {  	_ =	shalt  }
0x65: {  	_ =	shalt  }
0x66: {  	_ =	shalt  }
0x67: {  	_ =	shalt  }
0x68: {  	_ =	shalt  }
0x69: {  	_ =	shalt  }
0x6a: {  	_ =	shalt  }
0x6b: {  	_ =	shalt  }
0x6c: {  	_ =	shalt  }
0x6d: {  	_ =	shalt  }
0x6e: {  	_ =	shalt  }
0x6f: {  	_ =	shalt  }
0x70: {  	_ =	shalt  }
0x71: {  	_ =	shalt  }
0x72: {  	_ =	shalt  }
0x73: {  	_ =	shalt  }
0x74: {  	_ =	shalt  }
0x75: {  	_ =	shalt  }
0x76: {  	_ =	shalt  }
0x77: {  	_ =	shalt  }
0x78: {  	_ =	shalt  }
0x79: {  	_ =	shalt  }
0x7a: {  	_ =	shalt  }
0x7b: {  	_ =	shalt  }
0x7c: {  	_ =	shalt  }
0x7d: {  	_ =	shalt  }
0x7e: {  	_ =	shalt  }
0x7f: {  	_ =	shalt  }
0x80: {  	_ =	shalt  }
0x81: {  	_ =	shalt  }
0x82: {  	_ =	shalt  }
0x83: {  	_ =	shalt  }
0x84: {  	_ =	shalt  }
0x85: {  	_ =	shalt  }
0x86: {  	_ =	shalt  }
0x87: {  	_ =	shalt  }
.Lfunc_end0:
.L_simem_size_0:
called_computation_lowered:
.L_overlay_start_0:
0x88: {  	s2 =	sld [smem:$0x3FD9]  }
0x89: {  	s3 =	sld [smem:$0x3FFE];
	_ =	sdelay $0x1  }
0x8a: {  	s1 =	srdreg.scid  }
0x8b: {  	s0 =	sand.u32 $0x1, s1  }
0x8c: {  	s14 =	sshll.u32 s0, $0xA;
	s2 =	sadd.s32 s3, s2  }
0x8d: {  	s2 =	sadd.s32 s2, s14  }
0x8e: {  	[smem:$0x3FC4] =	sst s2  }
0x8f: {  	_ = 	snop  }
0x90: {  	s2 =	sld [smem:$0x3FD0];
	_ =	sdelay $0x2  }
0x91: {  	s15 =	simm.s32 $0xA;
	s4 =	simm.s32 $0x10  }
0x92: {  	[smem:s4], [sflag:s15] =	dma.local [hbm:s2], $0x1  }
0x93: {  	_ =	swait.eq [sflag:s15], $0x1  }
0x94: {  	[sflag:s15] =	ssyncset.done $0x0  }
0x95: {  	s16 =	sld [smem:$0x10];
	[sflag:s15] =	ssyncadd.s32 $0xFFFFFFFF  }
0x96: {  	s17 =	sld [smem:$0x11];
	(tm) =	ssettm $0x1  }
0x97: {  	s18 =	sld [smem:$0x3FFB];
	_ =	sdelay $0x3  }
0x98: {  	_ =	strace s18  }
0x99: {  	s4 =	sld [smem:$0x3FFC];
	_ =	sdelay $0x3  }
0x9a: {  	_ =	strace s4  }
0x9b: {  	s4 =	sld [smem:$0x3FFD];
	_ =	sdelay $0x3  }
0x9c: {  	_ =	strace s4  }
0x9d: {  	_ =	strace $0x8FFFFFFF  }
0x9e: {  	s19 =	sld [smem:$0x3FDB];
	_ =	sdelay $0x1  }
0x9f: {  	s5 =	simm.s32 $_scs_section_size  }
0xa0: {  	s6 =	simm.s32 $_size__tile_overlayer_lowered;
	s7 =	simm.s32 $_tile_overlayer_lowered  }
0xa1: {  	s22 =	simm.s32 $0x1BFF;
	s21 =	sshll.u32 s7, $0x1;
	s4 =	sadd.s32 s5, s19  }
0xa2: {  	s8 =	simm.s32 $0x0;
	s20 =	sshll.u32 s6, $0x1;
	s6 =	sadd.s32 s21, s4  }
0xa3: {  	[timem:s8], [sflag:s22] =	dma.local [hbm:s6], s20  }
0xa4: {  	_ =	swait.ge [sflag:s22], s20  }
0xa5: {  	s5 =	ssub.s32 $0x0, s20;
	[sflag:s22] =	ssyncset.done $0x0  }
0xa6: {  	[sflag:s22] =	ssyncadd.s32 s5;
	_ =	sdelay $0x1  }
0xa7: {  	s23 =	simm.s32 $0x1B8B  }
0xa8: {  	_ =	swait.ge [sflag:s23], $0x1  }
0xa9: {  	[sflag:s23] =	ssyncset.done $0x0  }
0xaa: {  	s25 =	simm.s32 $0x1B8E;
	s24 =	sld [smem:$0x3FFE];
	[sflag:s23] =	ssyncadd.s32 $0xFFFFFFFF  }
0xab: {  	s26 =	simm.s32 $execute0_lowered;
	[smem:$0x3FD2] =	sst s25  }
0xac: {  	s6 =	sshll.u32 s26, $0x1;
	_ =	strace $0x80000046;
	[dreg:$0x1] =	wrdreg $0xFFFFFFFF  }
0xad: {  	s28 =	simm.s32 $_size_execute0_lowered;
	s4 =	sadd.s32 s4, s6;
	[dreg:$0x0] =	wrdreg $0x0  }
0xae: {  	s6 =	sshll.u32 s28, $0x1;
	[dreg:$0x2] =	wrdreg s4  }
0xaf: {  	[dreg:$0x3] =	wrdreg s6  }
0xb0: {  	[dreg:$0x4] =	wrdreg $0xC0  }
0xb1: {  	_ =	task [dreg:s8], $0x5FFFF  }
0xb2: {  	[dreg:$0x1] =	wrdreg $0xFFFFFFFF  }
0xb3: {  	[dreg:$0x0] =	wrdreg $0x60  }
0xb4: {  	[dreg:$0x2] =	wrdreg s24  }
0xb5: {  	[dreg:$0x3] =	wrdreg s17  }
0xb6: {  	[dreg:$0x4] =	wrdreg s16  }
0xb7: {  	[dreg:$0x5] =	wrdreg $0x9  }
0xb8: {  	_ =	task.clear_ibuf [dreg:s8], $0x6FFFF;
	_ =	strace $0x90000046  }
0xb9: {  	s29 =	simm.s32 $0x9;
	_ =	strace $0x80000048  }
0xba: {  	_ =	swait.ge [sflag:s29], $0x1  }
0xbb: {  	[sflag:s29] =	ssyncadd.s32 $0xFFFFFFFF  }
0xbc: {  	_ =	strace $0x90000048  }
0xbd: {  	_ =	sfence  }
0xbe: {  	s30 =	sld [smem:$0x0];
	_ =	sdelay $0x2  }
0xbf: {  	s31 =	sshll.u32 s1, $0xD;
	s1 =	sshrl.u32 s1, $0x2  }
0xc0: {  	s3 =	sand.u32 $0x4000, s31;
	s1 =	sadd.s32 s1, s30  }
0xc1: {  	s0 =	sor.u32 s3, s0;
	s1 =	sshll.u32 s1, $0x11  }
0xc2: {  	s0 =	sor.u32 s1, s0  }
0xc3: {  	s0 =	sadd.s32 $0x8F2B, s0  }
0xc4: {  	[sflag:s0] =	ssyncadd.remote.s32 $0x1  }
0xc5: {  	_ =	sfence.sel $0xFFFF  }
0xc6: {  	[dreg:$0x0] =	wrdreg $0xFFFFFFFF;
	(pc) =	sbr.abs _section_cstart, $3  }
0xc7: {  	[dreg:$0x1] =	wrdreg $0xFFFFFFFF  }
0xc8: {  	_ =	task.clear_ibuf [dreg:s8], $0x2FFFF;
	_ =	strace $0x9FFFFFFF  }
0xc9: {  	(tm) =	ssettm $0x7FFFFFFF  }
tec
execute0_lowered:
.L_overlay_start_1:
0x0: {  	(tag) =	ssettag $0x1  }
0x1: {  	s0 =	stileid.u32;
	s1 =	srdreg.scid;
	v0 =	vlaneseq.u32  }
0x2: {  	s20 =	sand.u32 $0x1, s1;
	s28 =	sshll.u32 s0, $0x5;
	v32 =	vmul.u32 $0x80, v0  }
0x3: {  	s2 =	sshll.u32 s20, $0x4;
	s1 =	sand.u32 $0x20, s28  }
0x4: {  	s5 =	sor.u32 s2, s1;
	v0 =	vor.u32 $0x800, v32  }
0x5: {  	v42 =	vor.u32 $0x1000, v32;
	v1 =	vor.u32 s5, v0  }
0x6: {  	v57 =	vor.u32 $0x1800, v32;
	v43 =	vor.u32 s5, v42;
	[tilespmem:$0x1FBA0] =	vst v1  }
0x7: {  	s4 =	sor.u32 $0x1, s5;
	v58 =	vor.u32 s5, v57;
	[tilespmem:$0x1FCA0] =	vst v43  }
0x8: {  	s16 =	sor.u32 $0x2, s5;
	v59 =	vor.u32 s4, v0;
	[tilespmem:$0x1FDA0] =	vst v58  }
0x9: {  	s17 =	sor.u32 $0x3, s5;
	v60 =	vor.u32 s16, v0;
	[tilespmem:$0x1FBB0] =	vst v59  }
0xa: {  	s6 =	sor.u32 $0x4, s5;
	v61 =	vor.u32 s17, v0;
	[tilespmem:$0x1FBC0] =	vst v60  }
0xb: {  	s7 =	sor.u32 $0x5, s5;
	v62 =	vor.u32 s6, v0;
	[tilespmem:$0x1FBD0] =	vst v61  }
0xc: {  	s9 =	sor.u32 $0x6, s5;
	v63 =	vor.u32 s7, v0;
	[tilespmem:$0x1FBE0] =	vst v62  }
0xd: {  	s8 =	sor.u32 $0x7, s5;
	v33 =	vor.u32 s9, v0;
	[tilespmem:$0x1FBF0] =	vst v63  }
0xe: {  	s10 =	sor.u32 $0x8, s5;
	v34 =	vor.u32 s8, v0;
	[tilespmem:$0x1FC00] =	vst v33  }
0xf: {  	s12 =	sor.u32 $0x9, s5;
	v35 =	vor.u32 s10, v0;
	[tilespmem:$0x1FC10] =	vst v34  }
0x10: {  	s11 =	sor.u32 $0xA, s5;
	v36 =	vor.u32 s12, v0;
	[tilespmem:$0x1FC20] =	vst v35  }
0x11: {  	s13 =	sor.u32 $0xB, s5;
	v37 =	vor.u32 s11, v0;
	[tilespmem:$0x1FC30] =	vst v36  }
0x12: {  	s14 =	sor.u32 $0xC, s5;
	v38 =	vor.u32 s13, v0;
	[tilespmem:$0x1FC40] =	vst v37  }
0x13: {  	s15 =	sor.u32 $0xD, s5;
	v39 =	vor.u32 s14, v0;
	[tilespmem:$0x1FC50] =	vst v38  }
0x14: {  	s18 =	sor.u32 $0xE, s5;
	v40 =	vor.u32 s15, v0;
	[tilespmem:$0x1FC60] =	vst v39  }
0x15: {  	s19 =	sor.u32 $0xF, s5;
	v41 =	vor.u32 s18, v0;
	[tilespmem:$0x1FC70] =	vst v40  }
0x16: {  	v0 =	vor.u32 s19, v0;
	[tilespmem:$0x1FC80] =	vst v41  }
0x17: {  	v44 =	vor.u32 s4, v42;
	[tilespmem:$0x1FC90] =	vst v0  }
0x18: {  	v45 =	vor.u32 s16, v42;
	[tilespmem:$0x1FCB0] =	vst v44  }
0x19: {  	v46 =	vor.u32 s17, v42;
	[tilespmem:$0x1FCC0] =	vst v45  }
0x1a: {  	v47 =	vor.u32 s6, v42;
	[tilespmem:$0x1FCD0] =	vst v46  }
0x1b: {  	v48 =	vor.u32 s7, v42;
	[tilespmem:$0x1FCE0] =	vst v47  }
0x1c: {  	v49 =	vor.u32 s9, v42;
	[tilespmem:$0x1FCF0] =	vst v48  }
0x1d: {  	v50 =	vor.u32 s8, v42;
	[tilespmem:$0x1FD00] =	vst v49  }
0x1e: {  	v51 =	vor.u32 s10, v42;
	[tilespmem:$0x1FD10] =	vst v50  }
0x1f: {  	v52 =	vor.u32 s12, v42;
	[tilespmem:$0x1FD20] =	vst v51  }
0x20: {  	v53 =	vor.u32 s11, v42;
	[tilespmem:$0x1FD30] =	vst v52  }
0x21: {  	v54 =	vor.u32 s13, v42;
	[tilespmem:$0x1FD40] =	vst v53  }
0x22: {  	v55 =	vor.u32 s14, v42;
	[tilespmem:$0x1FD50] =	vst v54  }
0x23: {  	v56 =	vor.u32 s15, v42;
	[tilespmem:$0x1FD60] =	vst v55  }
0x24: {  	v2 =	vor.u32 s18, v42;
	[tilespmem:$0x1FD70] =	vst v56  }
0x25: {  	v15 =	vor.u32 $0x2800, v32;
	v1 =	vor.u32 s19, v57;
	[tilespmem:$0x1FD80] =	vst v2  }
0x26: {  	v58 =	vor.u32 s5, v15;
	[tilespmem:$0x1FE90] =	vst v1  }
0x27: {  	v0 =	vor.u32 s19, v42;
	[tilespmem:$0x1FFA0] =	vst v58  }
0x28: {  	v59 =	vor.u32 s4, v57;
	[tilespmem:$0x1FD90] =	vst v0  }
0x29: {  	v60 =	vor.u32 s16, v57;
	[tilespmem:$0x1FDB0] =	vst v59  }
0x2a: {  	v61 =	vor.u32 s17, v57;
	[tilespmem:$0x1FDC0] =	vst v60  }
0x2b: {  	v62 =	vor.u32 s6, v57;
	[tilespmem:$0x1FDD0] =	vst v61  }
0x2c: {  	v63 =	vor.u32 s7, v57;
	[tilespmem:$0x1FDE0] =	vst v62  }
0x2d: {  	v33 =	vor.u32 s9, v57;
	[tilespmem:$0x1FDF0] =	vst v63  }
0x2e: {  	v34 =	vor.u32 s8, v57;
	[tilespmem:$0x1FE00] =	vst v33  }
0x2f: {  	v35 =	vor.u32 s10, v57;
	[tilespmem:$0x1FE10] =	vst v34  }
0x30: {  	v36 =	vor.u32 s12, v57;
	[tilespmem:$0x1FE20] =	vst v35  }
0x31: {  	v37 =	vor.u32 s11, v57;
	[tilespmem:$0x1FE30] =	vst v36  }
0x32: {  	v38 =	vor.u32 s13, v57;
	[tilespmem:$0x1FE40] =	vst v37  }
0x33: {  	v39 =	vor.u32 s14, v57;
	[tilespmem:$0x1FE50] =	vst v38  }
0x34: {  	v16 =	vor.u32 s5, v32;
	v6 =	vor.u32 s9, v15;
	v40 =	vor.u32 s15, v57;
	[tilespmem:$0x1FE60] =	vst v39  }
0x35: {  	v7 =	vor.u32 s8, v15;
	v41 =	vor.u32 s18, v57;
	v42 =	vor.u32 $0x2000, v32;
	[tilespmem:$0x1FE70] =	vst v40  }
0x36: {  	v8 =	vor.u32 s10, v15;
	v9 =	vor.u32 s12, v15;
	[tilespmem:$0x1FE80] =	vst v41;
	v43 =	vor.u32 s5, v42  }
0x37: {  	v10 =	vor.u32 s11, v15;
	v11 =	vor.u32 s13, v15;
	v44 =	vor.u32 s4, v42;
	[tilespmem:$0x1FEA0] =	vst v43  }
0x38: {  	v12 =	vor.u32 s14, v15;
	v13 =	vor.u32 s15, v15;
	v45 =	vor.u32 s16, v42;
	[tilespmem:$0x1FEB0] =	vst v44  }
0x39: {  	v14 =	vor.u32 s18, v15;
	v17 =	vor.u32 s4, v32;
	v46 =	vor.u32 s17, v42;
	[tilespmem:$0x1FEC0] =	vst v45  }
0x3a: {  	v18 =	vor.u32 s16, v32;
	v19 =	vor.u32 s17, v32;
	v47 =	vor.u32 s6, v42;
	[tilespmem:$0x1FED0] =	vst v46  }
0x3b: {  	v20 =	vor.u32 s6, v32;
	v21 =	vor.u32 s7, v32;
	v48 =	vor.u32 s7, v42;
	[tilespmem:$0x1FEE0] =	vst v47  }
0x3c: {  	v22 =	vor.u32 s9, v32;
	v23 =	vor.u32 s8, v32;
	v49 =	vor.u32 s9, v42;
	[tilespmem:$0x1FEF0] =	vst v48  }
0x3d: {  	v24 =	vor.u32 s10, v32;
	v25 =	vor.u32 s12, v32;
	v50 =	vor.u32 s8, v42;
	[tilespmem:$0x1FF00] =	vst v49  }
0x3e: {  	v26 =	vor.u32 s11, v32;
	v27 =	vor.u32 s13, v32;
	v51 =	vor.u32 s10, v42;
	[tilespmem:$0x1FF10] =	vst v50  }
0x3f: {  	v28 =	vor.u32 s14, v32;
	v29 =	vor.u32 s15, v32;
	v52 =	vor.u32 s12, v42;
	[tilespmem:$0x1FF20] =	vst v51  }
0x40: {  	v30 =	vor.u32 s18, v32;
	v31 =	vor.u32 s19, v32;
	v53 =	vor.u32 s11, v42;
	[tilespmem:$0x1FF30] =	vst v52  }
0x41: {  	v54 =	vor.u32 s13, v42;
	v55 =	vor.u32 s14, v42;
	v56 =	vor.u32 s15, v42;
	[tilespmem:$0x1FF40] =	vst v53  }
0x42: {  	v57 =	vor.u32 s18, v42;
	v0 =	vor.u32 s19, v42;
	v59 =	vor.u32 s4, v15;
	[tilespmem:$0x1FF50] =	vst v54  }
0x43: {  	v60 =	vor.u32 s16, v15;
	v61 =	vor.u32 s17, v15;
	v62 =	vor.u32 s6, v15;
	[tilespmem:$0x1FF60] =	vst v55  }
0x44: {  	v63 =	vor.u32 s7, v15;
	v15 =	vor.u32 s19, v15;
	[tilespmem:$0x1FF70] =	vst v56;
	v47 =	vor.u32 $0x3000, v32  }
0x45: {  	s21 =	rddreg [dreg:$0x0];
	[tilespmem:$0x1FFF0] =	vst v63;
	v63 =	vor.u32 $0x3800, v32;
	v32 =	vor.u32 s5, v47;
	v33 =	vor.u32 s4, v47  }
0x46: {  	s23 =	rddreg [dreg:$0x2];
	s3 =	simm.s32 $0x0;
	s29 =	sshll.u32 s0, $0x6;
	[tilespmem:$0x1FF80] =	vst v57;
	v34 =	vor.u32 s16, v47;
	v35 =	vor.u32 s17, v47;
	v36 =	vor.u32 s6, v47  }
0x47: {  	s22 =	sshrl.u32 s0, $0x2;
	[smem:$0x7FF] =	sst s3;
	s24 =	sand.u32 $0x80, s29;
	[tilespmem:$0x1FF90] =	vst v0;
	v37 =	vor.u32 s7, v47;
	v38 =	vor.u32 s9, v47;
	v39 =	vor.u32 s8, v47  }
0x48: {  	s25 =	sshll.u32 s22, $0x8;
	s20 =	ssub.s32 $0x2, s20;
	s1 =	rddreg [dreg:$0x1];
	[tilespmem:$0x1FFB0] =	vst v59;
	v40 =	vor.u32 s10, v47;
	v41 =	vor.u32 s12, v47;
	v42 =	vor.u32 s11, v47  }
0x49: {  	s22 =	sshll.u32 s22, $0xB;
	s2 =	rddreg [dreg:$0x3];
	s25 =	sor.u32 s24, s25;
	[tilespmem:$0x1FFC0] =	vst v60;
	v43 =	vor.u32 s13, v47;
	v44 =	vor.u32 s14, v47;
	v45 =	vor.u32 s15, v47  }
0x4a: {  	s30 =	sshrl.u32 s20, $0x1;
	s22 =	sadd.s32 s23, s22;
	s25 =	sshrl.u32 s25, $0x3;
	[tilespmem:$0x1FFD0] =	vst v61;
	v46 =	vor.u32 s18, v47;
	v47 =	vor.u32 s19, v47;
	v48 =	vor.u32 s5, v63  }
0x4b: {  	s20 =	ssub.s32 s20, s30;
	s31 =	sadd.s32 s24, s22;
	s21 =	sadd.s32 s25, s21;
	[tilespmem:$0x1FFE0] =	vst v62;
	v49 =	vor.u32 s4, v63;
	v50 =	vor.u32 s16, v63;
	v51 =	vor.u32 s17, v63  }
0x4c: {  	_ =	strace $0x80000047;
	s4 =	sadd.s32 $0xE00, s21;
	s5 =	sshll.u32 s5, $0x5;
	v52 =	vor.u32 s6, v63;
	v53 =	vor.u32 s7, v63;
	v54 =	vor.u32 s9, v63  }
0x4d: {  	s6 =	smax.u32 s20, $0x1;
	s7 =	simm.s32 $0x2;
	v55 =	vor.u32 s8, v63;
	v56 =	vor.u32 s10, v63;
	v57 =	vor.u32 s12, v63;
	s8 =	simm.s32 $0x80  }
0x4e: {  	s9 =	simm.s32 $0x100;
	s10 =	simm.s32 $0x1;
	v58 =	vor.u32 s11, v63;
	v59 =	vor.u32 s13, v63;
	v60 =	vor.u32 s14, v63;
	s11 =	simm.s32 $0x400  }
0x4f: {  	v61 =	vor.u32 s15, v63;
	v62 =	vor.u32 s18, v63;
	v63 =	vor.u32 s19, v63;
	s12 =	simm.s32 $0x800;
	s13 =	simm.s32 $0x4100;
	s5 =	sadd.s32 s5, s31  }
.LBB2_1:
0x50: {  	[tilespmem:s3], [sflag:$0x2] =	stream.linear.gather [hbm4b:s4+s3], $0x80, $0x38;
	[tilespmem:$0x4900] =	vst v63  }
0x51: {  	_ =	swait.ge [sflag:s7], $0x80  }
0x52: {  	[sflag:s7] =	ssyncset.done $0x0  }
0x53: {  	[sflag:s7] =	ssyncadd.s32 $0xFFFFFF80  }
0x54: {  	v0 =	vld [tilespmem:$0x0]  }
0x55: {  	v1 =	vld [tilespmem:$0x10]  }
0x56: {  	v2 =	vld [tilespmem:$0x20]  }
0x57: {  	v3 =	vld [tilespmem:$0x30]  }
0x58: {  	v4 =	vld [tilespmem:$0x40]  }
0x59: {  	v5 =	vld [tilespmem:$0x50];
	v0 =	vshra.s32 v0, $0x1  }
0x5a: {  	[tilespmem:$0x80] =	vst v0;
	v0 =	vshra.s32 v1, $0x1;
	v1 =	vld [tilespmem:$0x60]  }
0x5b: {  	[tilespmem:$0x90] =	vst v0;
	v0 =	vshra.s32 v2, $0x1;
	v2 =	vld [tilespmem:$0x70]  }
0x5c: {  	[tilespmem:$0xA0] =	vst v0;
	v0 =	vshra.s32 v3, $0x1  }
0x5d: {  	[tilespmem:$0xB0] =	vst v0;
	v0 =	vshra.s32 v4, $0x1  }
0x5e: {  	[tilespmem:$0xC0] =	vst v0;
	v0 =	vshra.s32 v5, $0x1  }
0x5f: {  	[tilespmem:$0xD0] =	vst v0;
	v0 =	vshra.s32 v1, $0x1  }
0x60: {  	[tilespmem:$0xE0] =	vst v0;
	v0 =	vshra.s32 v2, $0x1  }
0x61: {  	[tilespmem:$0xF0] =	vst v0  }
0x62: {  	[tilespmem:s9], [sflag:$0x1] =	stream.indirect.gather [hbm4b:s1+s8], $0x80, s8, s8, $0xb8;
	[tilespmem:$0x4900] =	vst v63  }
0x63: {  	_ =	swait.ge [sflag:s10], $0x4000  }
0x64: {  	[sflag:s10] =	ssyncset.done $0x0  }
0x65: {  	[sflag:s10] =	ssyncadd.s32 $0xFFFFC000  }
0x66: {  	v0 =	vld [tilespmem:$0x0];
	_ =	sdelay $0x4  }
0x67: {  	v0 =	vshll.u32 v0, $0x6  }
0x68: {  	v0 =	vand.u32 $0x40, v0  }
0x69: {  	v1 =	vor.u32 v16, v0;
	_ =	sdelay $0x4  }
0x6a: {  	v1 =	vld.idx.msk [tilespmem:v1+s9+$0x0], $0xffff  }
0x6b: {  	v2 =	vor.u32 v17, v0;
	_ =	sdelay $0x3  }
0x6c: {  	[tilespmem:$0x4100] =	vst v1  }
0x6d: {  	v1 =	vld.idx.msk [tilespmem:v2+s9+$0x0], $0xffff  }
0x6e: {  	v2 =	vor.u32 v18, v0;
	_ =	sdelay $0x3  }
0x6f: {  	[tilespmem:$0x4180] =	vst v1  }
0x70: {  	v1 =	vld.idx.msk [tilespmem:v2+s9+$0x0], $0xffff  }
0x71: {  	v2 =	vor.u32 v19, v0;
	_ =	sdelay $0x3  }
0x72: {  	[tilespmem:$0x4200] =	vst v1  }
0x73: {  	v1 =	vld.idx.msk [tilespmem:v2+s9+$0x0], $0xffff  }
0x74: {  	v2 =	vor.u32 v20, v0;
	_ =	sdelay $0x3  }
0x75: {  	[tilespmem:$0x4280] =	vst v1  }
0x76: {  	v1 =	vld.idx.msk [tilespmem:v2+s9+$0x0], $0xffff  }
0x77: {  	v2 =	vor.u32 v21, v0;
	_ =	sdelay $0x3  }
0x78: {  	[tilespmem:$0x4300] =	vst v1  }
0x79: {  	v1 =	vld.idx.msk [tilespmem:v2+s9+$0x0], $0xffff  }
0x7a: {  	v2 =	vor.u32 v22, v0;
	_ =	sdelay $0x3  }
0x7b: {  	[tilespmem:$0x4380] =	vst v1  }
0x7c: {  	v1 =	vld.idx.msk [tilespmem:v2+s9+$0x0], $0xffff  }
0x7d: {  	v2 =	vor.u32 v23, v0;
	_ =	sdelay $0x3  }
0x7e: {  	[tilespmem:$0x4400] =	vst v1  }
0x7f: {  	v1 =	vld.idx.msk [tilespmem:v2+s9+$0x0], $0xffff  }
0x80: {  	v2 =	vor.u32 v24, v0;
	_ =	sdelay $0x3  }
0x81: {  	[tilespmem:$0x4480] =	vst v1  }
0x82: {  	v1 =	vld.idx.msk [tilespmem:v2+s9+$0x0], $0xffff  }
0x83: {  	v2 =	vor.u32 v25, v0;
	_ =	sdelay $0x3  }
0x84: {  	[tilespmem:$0x4500] =	vst v1  }
0x85: {  	v1 =	vld.idx.msk [tilespmem:v2+s9+$0x0], $0xffff  }
0x86: {  	v2 =	vor.u32 v26, v0;
	_ =	sdelay $0x3  }
0x87: {  	[tilespmem:$0x4580] =	vst v1  }
0x88: {  	v1 =	vld.idx.msk [tilespmem:v2+s9+$0x0], $0xffff  }
0x89: {  	v2 =	vor.u32 v27, v0;
	_ =	sdelay $0x3  }
0x8a: {  	[tilespmem:$0x4600] =	vst v1  }
0x8b: {  	v1 =	vld.idx.msk [tilespmem:v2+s9+$0x0], $0xffff  }
0x8c: {  	v2 =	vor.u32 v28, v0;
	_ =	sdelay $0x3  }
0x8d: {  	[tilespmem:$0x4680] =	vst v1  }
0x8e: {  	v1 =	vld.idx.msk [tilespmem:v2+s9+$0x0], $0xffff  }
0x8f: {  	v2 =	vor.u32 v29, v0;
	_ =	sdelay $0x3  }
0x90: {  	[tilespmem:$0x4700] =	vst v1  }
0x91: {  	v1 =	vld.idx.msk [tilespmem:v2+s9+$0x0], $0xffff  }
0x92: {  	v2 =	vor.u32 v30, v0;
	_ =	sdelay $0x3  }
0x93: {  	[tilespmem:$0x4780] =	vst v1  }
0x94: {  	v1 =	vld.idx.msk [tilespmem:v2+s9+$0x0], $0xffff  }
0x95: {  	v2 =	vld [tilespmem:$0x10];
	_ =	sdelay $0x3  }
0x96: {  	v0 =	vor.u32 v31, v0  }
0x97: {  	[tilespmem:$0x4800] =	vst v1;
	v1 =	vshll.u32 v2, $0x6;
	v2 =	vld [tilespmem:$0x1FBA0];
	_ =	sdelay $0x3  }
0x98: {  	v0 =	vld.idx.msk [tilespmem:v0+s9+$0x0], $0xffff;
	v1 =	vand.u32 $0x40, v1  }
0x99: {  	v2 =	vor.u32 v2, v1;
	_ =	sdelay $0x3  }
0x9a: {  	[tilespmem:$0x4880] =	vst v0  }
0x9b: {  	v0 =	vld.idx.msk [tilespmem:v2+s9+$0x0], $0xffff  }
0x9c: {  	v2 =	vld [tilespmem:$0x1FBB0];
	_ =	sdelay $0x4  }
0x9d: {  	v2 =	vor.u32 v2, v1;
	_ =	sdelay $0x3  }
0x9e: {  	[tilespmem:$0x4110] =	vst v0  }
0x9f: {  	v0 =	vld.idx.msk [tilespmem:v2+s9+$0x0], $0xffff  }
0xa0: {  	v2 =	vld [tilespmem:$0x1FBC0];
	_ =	sdelay $0x4  }
0xa1: {  	v2 =	vor.u32 v2, v1;
	_ =	sdelay $0x3  }
0xa2: {  	[tilespmem:$0x4190] =	vst v0  }
0xa3: {  	v0 =	vld.idx.msk [tilespmem:v2+s9+$0x0], $0xffff  }
0xa4: {  	v2 =	vld [tilespmem:$0x1FBD0];
	_ =	sdelay $0x4  }
0xa5: {  	v2 =	vor.u32 v2, v1;
	_ =	sdelay $0x3  }
0xa6: {  	[tilespmem:$0x4210] =	vst v0  }
0xa7: {  	v0 =	vld.idx.msk [tilespmem:v2+s9+$0x0], $0xffff  }
0xa8: {  	v2 =	vld [tilespmem:$0x1FBE0];
	_ =	sdelay $0x4  }
0xa9: {  	v2 =	vor.u32 v2, v1;
	_ =	sdelay $0x3  }
0xaa: {  	[tilespmem:$0x4290] =	vst v0  }
0xab: {  	v0 =	vld.idx.msk [tilespmem:v2+s9+$0x0], $0xffff  }
0xac: {  	v2 =	vld [tilespmem:$0x1FBF0];
	_ =	sdelay $0x4  }
0xad: {  	v2 =	vor.u32 v2, v1;
	_ =	sdelay $0x3  }
0xae: {  	[tilespmem:$0x4310] =	vst v0  }
0xaf: {  	v0 =	vld.idx.msk [tilespmem:v2+s9+$0x0], $0xffff  }
0xb0: {  	v2 =	vld [tilespmem:$0x1FC00];
	_ =	sdelay $0x4  }
0xb1: {  	v2 =	vor.u32 v2, v1;
	_ =	sdelay $0x3  }
0xb2: {  	[tilespmem:$0x4390] =	vst v0  }
0xb3: {  	v0 =	vld.idx.msk [tilespmem:v2+s9+$0x0], $0xffff  }
0xb4: {  	v2 =	vld [tilespmem:$0x1FC10];
	_ =	sdelay $0x4  }
0xb5: {  	v2 =	vor.u32 v2, v1;
	_ =	sdelay $0x3  }
0xb6: {  	[tilespmem:$0x4410] =	vst v0  }
0xb7: {  	v0 =	vld.idx.msk [tilespmem:v2+s9+$0x0], $0xffff  }
0xb8: {  	v2 =	vld [tilespmem:$0x1FC20];
	_ =	sdelay $0x4  }
0xb9: {  	v2 =	vor.u32 v2, v1;
	_ =	sdelay $0x3  }
0xba: {  	[tilespmem:$0x4490] =	vst v0  }
0xbb: {  	v0 =	vld.idx.msk [tilespmem:v2+s9+$0x0], $0xffff  }
0xbc: {  	v2 =	vld [tilespmem:$0x1FC30];
	_ =	sdelay $0x4  }
0xbd: {  	v2 =	vor.u32 v2, v1;
	_ =	sdelay $0x3  }
0xbe: {  	[tilespmem:$0x4510] =	vst v0  }
0xbf: {  	v0 =	vld.idx.msk [tilespmem:v2+s9+$0x0], $0xffff  }
0xc0: {  	v2 =	vld [tilespmem:$0x1FC40];
	_ =	sdelay $0x4  }
0xc1: {  	v2 =	vor.u32 v2, v1;
	_ =	sdelay $0x3  }
0xc2: {  	[tilespmem:$0x4590] =	vst v0  }
0xc3: {  	v0 =	vld.idx.msk [tilespmem:v2+s9+$0x0], $0xffff  }
0xc4: {  	v2 =	vld [tilespmem:$0x1FC50];
	_ =	sdelay $0x4  }
0xc5: {  	v2 =	vor.u32 v2, v1;
	_ =	sdelay $0x3  }
0xc6: {  	[tilespmem:$0x4610] =	vst v0  }
0xc7: {  	v0 =	vld.idx.msk [tilespmem:v2+s9+$0x0], $0xffff  }
0xc8: {  	v2 =	vld [tilespmem:$0x1FC60];
	_ =	sdelay $0x4  }
0xc9: {  	v2 =	vor.u32 v2, v1;
	_ =	sdelay $0x3  }
0xca: {  	[tilespmem:$0x4690] =	vst v0  }
0xcb: {  	v0 =	vld.idx.msk [tilespmem:v2+s9+$0x0], $0xffff  }
0xcc: {  	v2 =	vld [tilespmem:$0x1FC70];
	_ =	sdelay $0x4  }
0xcd: {  	v2 =	vor.u32 v2, v1;
	_ =	sdelay $0x3  }
0xce: {  	[tilespmem:$0x4710] =	vst v0  }
0xcf: {  	v0 =	vld.idx.msk [tilespmem:v2+s9+$0x0], $0xffff  }
0xd0: {  	v2 =	vld [tilespmem:$0x1FC80];
	_ =	sdelay $0x4  }
0xd1: {  	v2 =	vor.u32 v2, v1;
	_ =	sdelay $0x3  }
0xd2: {  	v3 =	vld [tilespmem:$0x1FC90];
	[tilespmem:$0x4790] =	vst v0  }
0xd3: {  	v0 =	vld.idx.msk [tilespmem:v2+s9+$0x0], $0xffff  }
0xd4: {  	v2 =	vld [tilespmem:$0x20];
	_ =	sdelay $0x3  }
0xd5: {  	v1 =	vor.u32 v3, v1  }
0xd6: {  	[tilespmem:$0x4810] =	vst v0;
	v0 =	vshll.u32 v2, $0x6;
	v2 =	vld [tilespmem:$0x1FCA0];
	_ =	sdelay $0x3  }
0xd7: {  	v1 =	vld.idx.msk [tilespmem:v1+s9+$0x0], $0xffff;
	v0 =	vand.u32 $0x40, v0  }
0xd8: {  	v2 =	vor.u32 v2, v0;
	_ =	sdelay $0x3  }
0xd9: {  	[tilespmem:$0x4890] =	vst v1  }
0xda: {  	v1 =	vld.idx.msk [tilespmem:v2+s9+$0x0], $0xffff  }
0xdb: {  	v2 =	vld [tilespmem:$0x1FCB0];
	_ =	sdelay $0x4  }
0xdc: {  	v2 =	vor.u32 v2, v0;
	_ =	sdelay $0x3  }
0xdd: {  	[tilespmem:$0x4120] =	vst v1  }
0xde: {  	v1 =	vld.idx.msk [tilespmem:v2+s9+$0x0], $0xffff  }
0xdf: {  	v2 =	vld [tilespmem:$0x1FCC0];
	_ =	sdelay $0x4  }
0xe0: {  	v2 =	vor.u32 v2, v0;
	_ =	sdelay $0x3  }
0xe1: {  	[tilespmem:$0x41A0] =	vst v1  }
0xe2: {  	v1 =	vld.idx.msk [tilespmem:v2+s9+$0x0], $0xffff  }
0xe3: {  	v2 =	vld [tilespmem:$0x1FCD0];
	_ =	sdelay $0x4  }
0xe4: {  	v2 =	vor.u32 v2, v0;
	_ =	sdelay $0x3  }
0xe5: {  	[tilespmem:$0x4220] =	vst v1  }
0xe6: {  	v1 =	vld.idx.msk [tilespmem:v2+s9+$0x0], $0xffff  }
0xe7: {  	v2 =	vld [tilespmem:$0x1FCE0];
	_ =	sdelay $0x4  }
0xe8: {  	v2 =	vor.u32 v2, v0;
	_ =	sdelay $0x3  }
0xe9: {  	[tilespmem:$0x42A0] =	vst v1  }
0xea: {  	v1 =	vld.idx.msk [tilespmem:v2+s9+$0x0], $0xffff  }
0xeb: {  	v2 =	vld [tilespmem:$0x1FCF0];
	_ =	sdelay $0x4  }
0xec: {  	v2 =	vor.u32 v2, v0;
	_ =	sdelay $0x3  }
0xed: {  	[tilespmem:$0x4320] =	vst v1  }
0xee: {  	v1 =	vld.idx.msk [tilespmem:v2+s9+$0x0], $0xffff  }
0xef: {  	v2 =	vld [tilespmem:$0x1FD00];
	_ =	sdelay $0x4  }
0xf0: {  	v2 =	vor.u32 v2, v0;
	_ =	sdelay $0x3  }
0xf1: {  	[tilespmem:$0x43A0] =	vst v1  }
0xf2: {  	v1 =	vld.idx.msk [tilespmem:v2+s9+$0x0], $0xffff  }
0xf3: {  	v2 =	vld [tilespmem:$0x1FD10];
	_ =	sdelay $0x4  }
0xf4: {  	v2 =	vor.u32 v2, v0;
	_ =	sdelay $0x3  }
0xf5: {  	[tilespmem:$0x4420] =	vst v1  }
0xf6: {  	v1 =	vld.idx.msk [tilespmem:v2+s9+$0x0], $0xffff  }
0xf7: {  	v2 =	vld [tilespmem:$0x1FD20];
	_ =	sdelay $0x4  }
0xf8: {  	v2 =	vor.u32 v2, v0;
	_ =	sdelay $0x3  }
0xf9: {  	[tilespmem:$0x44A0] =	vst v1  }
0xfa: {  	v1 =	vld.idx.msk [tilespmem:v2+s9+$0x0], $0xffff  }
0xfb: {  	v2 =	vld [tilespmem:$0x1FD30];
	_ =	sdelay $0x4  }
0xfc: {  	v2 =	vor.u32 v2, v0;
	_ =	sdelay $0x3  }
0xfd: {  	[tilespmem:$0x4520] =	vst v1  }
0xfe: {  	v1 =	vld.idx.msk [tilespmem:v2+s9+$0x0], $0xffff  }
0xff: {  	v2 =	vld [tilespmem:$0x1FD40];
	_ =	sdelay $0x4  }
0x100: {  	v2 =	vor.u32 v2, v0;
	_ =	sdelay $0x3  }
0x101: {  	[tilespmem:$0x45A0] =	vst v1  }
0x102: {  	v1 =	vld.idx.msk [tilespmem:v2+s9+$0x0], $0xffff  }
0x103: {  	v2 =	vld [tilespmem:$0x1FD50];
	_ =	sdelay $0x4  }
0x104: {  	v2 =	vor.u32 v2, v0;
	_ =	sdelay $0x3  }
0x105: {  	[tilespmem:$0x4620] =	vst v1  }
0x106: {  	v1 =	vld.idx.msk [tilespmem:v2+s9+$0x0], $0xffff  }
0x107: {  	v2 =	vld [tilespmem:$0x1FD60];
	_ =	sdelay $0x4  }
0x108: {  	v2 =	vor.u32 v2, v0;
	_ =	sdelay $0x3  }
0x109: {  	[tilespmem:$0x46A0] =	vst v1  }
0x10a: {  	v1 =	vld.idx.msk [tilespmem:v2+s9+$0x0], $0xffff  }
0x10b: {  	v2 =	vld [tilespmem:$0x1FD70];
	_ =	sdelay $0x4  }
0x10c: {  	v2 =	vor.u32 v2, v0;
	_ =	sdelay $0x3  }
0x10d: {  	[tilespmem:$0x4720] =	vst v1  }
0x10e: {  	v1 =	vld.idx.msk [tilespmem:v2+s9+$0x0], $0xffff  }
0x10f: {  	v2 =	vld [tilespmem:$0x1FD80];
	_ =	sdelay $0x4  }
0x110: {  	v2 =	vor.u32 v2, v0;
	_ =	sdelay $0x3  }
0x111: {  	v3 =	vld [tilespmem:$0x1FD90];
	[tilespmem:$0x47A0] =	vst v1  }
0x112: {  	v1 =	vld.idx.msk [tilespmem:v2+s9+$0x0], $0xffff  }
0x113: {  	v2 =	vld [tilespmem:$0x30];
	_ =	sdelay $0x3  }
0x114: {  	v0 =	vor.u32 v3, v0  }
0x115: {  	[tilespmem:$0x4820] =	vst v1;
	v1 =	vshll.u32 v2, $0x6;
	v2 =	vld [tilespmem:$0x1FDA0];
	_ =	sdelay $0x3  }
0x116: {  	v0 =	vld.idx.msk [tilespmem:v0+s9+$0x0], $0xffff;
	v1 =	vand.u32 $0x40, v1  }
0x117: {  	v2 =	vor.u32 v2, v1;
	_ =	sdelay $0x3  }
0x118: {  	[tilespmem:$0x48A0] =	vst v0  }
0x119: {  	v0 =	vld.idx.msk [tilespmem:v2+s9+$0x0], $0xffff  }
0x11a: {  	v2 =	vld [tilespmem:$0x1FDB0];
	_ =	sdelay $0x4  }
0x11b: {  	v2 =	vor.u32 v2, v1;
	_ =	sdelay $0x3  }
0x11c: {  	[tilespmem:$0x4130] =	vst v0  }
0x11d: {  	v0 =	vld.idx.msk [tilespmem:v2+s9+$0x0], $0xffff  }
0x11e: {  	v2 =	vld [tilespmem:$0x1FDC0];
	_ =	sdelay $0x4  }
0x11f: {  	v2 =	vor.u32 v2, v1;
	_ =	sdelay $0x3  }
0x120: {  	[tilespmem:$0x41B0] =	vst v0  }
0x121: {  	v0 =	vld.idx.msk [tilespmem:v2+s9+$0x0], $0xffff  }
0x122: {  	v2 =	vld [tilespmem:$0x1FDD0];
	_ =	sdelay $0x4  }
0x123: {  	v2 =	vor.u32 v2, v1;
	_ =	sdelay $0x3  }
0x124: {  	[tilespmem:$0x4230] =	vst v0  }
0x125: {  	v0 =	vld.idx.msk [tilespmem:v2+s9+$0x0], $0xffff  }
0x126: {  	v2 =	vld [tilespmem:$0x1FDE0];
	_ =	sdelay $0x4  }
0x127: {  	v2 =	vor.u32 v2, v1;
	_ =	sdelay $0x3  }
0x128: {  	[tilespmem:$0x42B0] =	vst v0  }
0x129: {  	v0 =	vld.idx.msk [tilespmem:v2+s9+$0x0], $0xffff  }
0x12a: {  	v2 =	vld [tilespmem:$0x1FDF0];
	_ =	sdelay $0x4  }
0x12b: {  	v2 =	vor.u32 v2, v1;
	_ =	sdelay $0x3  }
0x12c: {  	[tilespmem:$0x4330] =	vst v0  }
0x12d: {  	v0 =	vld.idx.msk [tilespmem:v2+s9+$0x0], $0xffff  }
0x12e: {  	v2 =	vld [tilespmem:$0x1FE00];
	_ =	sdelay $0x4  }
0x12f: {  	v2 =	vor.u32 v2, v1;
	_ =	sdelay $0x3  }
0x130: {  	[tilespmem:$0x43B0] =	vst v0  }
0x131: {  	v0 =	vld.idx.msk [tilespmem:v2+s9+$0x0], $0xffff  }
0x132: {  	v2 =	vld [tilespmem:$0x1FE10];
	_ =	sdelay $0x4  }
0x133: {  	v2 =	vor.u32 v2, v1;
	_ =	sdelay $0x3  }
0x134: {  	[tilespmem:$0x4430] =	vst v0  }
0x135: {  	v0 =	vld.idx.msk [tilespmem:v2+s9+$0x0], $0xffff  }
0x136: {  	v2 =	vld [tilespmem:$0x1FE20];
	_ =	sdelay $0x4  }
0x137: {  	v2 =	vor.u32 v2, v1;
	_ =	sdelay $0x3  }
0x138: {  	[tilespmem:$0x44B0] =	vst v0  }
0x139: {  	v0 =	vld.idx.msk [tilespmem:v2+s9+$0x0], $0xffff  }
0x13a: {  	v2 =	vld [tilespmem:$0x1FE30];
	_ =	sdelay $0x4  }
0x13b: {  	v2 =	vor.u32 v2, v1;
	_ =	sdelay $0x3  }
0x13c: {  	[tilespmem:$0x4530] =	vst v0  }
0x13d: {  	v0 =	vld.idx.msk [tilespmem:v2+s9+$0x0], $0xffff  }
0x13e: {  	v2 =	vld [tilespmem:$0x1FE40];
	_ =	sdelay $0x4  }
0x13f: {  	v2 =	vor.u32 v2, v1;
	_ =	sdelay $0x3  }
0x140: {  	[tilespmem:$0x45B0] =	vst v0  }
0x141: {  	v0 =	vld.idx.msk [tilespmem:v2+s9+$0x0], $0xffff  }
0x142: {  	v2 =	vld [tilespmem:$0x1FE50];
	_ =	sdelay $0x4  }
0x143: {  	v2 =	vor.u32 v2, v1;
	_ =	sdelay $0x3  }
0x144: {  	[tilespmem:$0x4630] =	vst v0  }
0x145: {  	v0 =	vld.idx.msk [tilespmem:v2+s9+$0x0], $0xffff  }
0x146: {  	v2 =	vld [tilespmem:$0x1FE60];
	_ =	sdelay $0x4  }
0x147: {  	v2 =	vor.u32 v2, v1;
	_ =	sdelay $0x3  }
0x148: {  	[tilespmem:$0x46B0] =	vst v0  }
0x149: {  	v0 =	vld.idx.msk [tilespmem:v2+s9+$0x0], $0xffff  }
0x14a: {  	v2 =	vld [tilespmem:$0x1FE70];
	_ =	sdelay $0x4  }
0x14b: {  	v2 =	vor.u32 v2, v1;
	_ =	sdelay $0x3  }
0x14c: {  	[tilespmem:$0x4730] =	vst v0  }
0x14d: {  	v0 =	vld.idx.msk [tilespmem:v2+s9+$0x0], $0xffff  }
0x14e: {  	v2 =	vld [tilespmem:$0x1FE80];
	_ =	sdelay $0x4  }
0x14f: {  	v2 =	vor.u32 v2, v1;
	_ =	sdelay $0x3  }
0x150: {  	v3 =	vld [tilespmem:$0x1FE90];
	[tilespmem:$0x47B0] =	vst v0  }
0x151: {  	v0 =	vld.idx.msk [tilespmem:v2+s9+$0x0], $0xffff  }
0x152: {  	v2 =	vld [tilespmem:$0x40];
	_ =	sdelay $0x3  }
0x153: {  	v1 =	vor.u32 v3, v1  }
0x154: {  	[tilespmem:$0x4830] =	vst v0;
	v0 =	vshll.u32 v2, $0x6;
	v2 =	vld [tilespmem:$0x1FEA0];
	_ =	sdelay $0x3  }
0x155: {  	v1 =	vld.idx.msk [tilespmem:v1+s9+$0x0], $0xffff;
	v0 =	vand.u32 $0x40, v0  }
0x156: {  	v2 =	vor.u32 v2, v0;
	_ =	sdelay $0x3  }
0x157: {  	[tilespmem:$0x48B0] =	vst v1  }
0x158: {  	v1 =	vld.idx.msk [tilespmem:v2+s9+$0x0], $0xffff  }
0x159: {  	v2 =	vld [tilespmem:$0x1FEB0];
	_ =	sdelay $0x4  }
0x15a: {  	v2 =	vor.u32 v2, v0;
	_ =	sdelay $0x3  }
0x15b: {  	[tilespmem:$0x4140] =	vst v1  }
0x15c: {  	v1 =	vld.idx.msk [tilespmem:v2+s9+$0x0], $0xffff  }
0x15d: {  	v2 =	vld [tilespmem:$0x1FEC0];
	_ =	sdelay $0x4  }
0x15e: {  	v2 =	vor.u32 v2, v0;
	_ =	sdelay $0x3  }
0x15f: {  	[tilespmem:$0x41C0] =	vst v1  }
0x160: {  	v1 =	vld.idx.msk [tilespmem:v2+s9+$0x0], $0xffff  }
0x161: {  	v2 =	vld [tilespmem:$0x1FED0];
	_ =	sdelay $0x4  }
0x162: {  	v2 =	vor.u32 v2, v0;
	_ =	sdelay $0x3  }
0x163: {  	[tilespmem:$0x4240] =	vst v1  }
0x164: {  	v1 =	vld.idx.msk [tilespmem:v2+s9+$0x0], $0xffff  }
0x165: {  	v2 =	vld [tilespmem:$0x1FEE0];
	_ =	sdelay $0x4  }
0x166: {  	v2 =	vor.u32 v2, v0;
	_ =	sdelay $0x3  }
0x167: {  	[tilespmem:$0x42C0] =	vst v1  }
0x168: {  	v1 =	vld.idx.msk [tilespmem:v2+s9+$0x0], $0xffff  }
0x169: {  	v2 =	vld [tilespmem:$0x1FEF0];
	_ =	sdelay $0x4  }
0x16a: {  	v2 =	vor.u32 v2, v0;
	_ =	sdelay $0x3  }
0x16b: {  	[tilespmem:$0x4340] =	vst v1  }
0x16c: {  	v1 =	vld.idx.msk [tilespmem:v2+s9+$0x0], $0xffff  }
0x16d: {  	v2 =	vld [tilespmem:$0x1FF00];
	_ =	sdelay $0x4  }
0x16e: {  	v2 =	vor.u32 v2, v0;
	_ =	sdelay $0x3  }
0x16f: {  	[tilespmem:$0x43C0] =	vst v1  }
0x170: {  	v1 =	vld.idx.msk [tilespmem:v2+s9+$0x0], $0xffff  }
0x171: {  	v2 =	vld [tilespmem:$0x1FF10];
	_ =	sdelay $0x4  }
0x172: {  	v2 =	vor.u32 v2, v0;
	_ =	sdelay $0x3  }
0x173: {  	[tilespmem:$0x4440] =	vst v1  }
0x174: {  	v1 =	vld.idx.msk [tilespmem:v2+s9+$0x0], $0xffff  }
0x175: {  	v2 =	vld [tilespmem:$0x1FF20];
	_ =	sdelay $0x4  }
0x176: {  	v2 =	vor.u32 v2, v0;
	_ =	sdelay $0x3  }
0x177: {  	[tilespmem:$0x44C0] =	vst v1  }
0x178: {  	v1 =	vld.idx.msk [tilespmem:v2+s9+$0x0], $0xffff  }
0x179: {  	v2 =	vld [tilespmem:$0x1FF30];
	_ =	sdelay $0x4  }
0x17a: {  	v2 =	vor.u32 v2, v0;
	_ =	sdelay $0x3  }
0x17b: {  	[tilespmem:$0x4540] =	vst v1  }
0x17c: {  	v1 =	vld.idx.msk [tilespmem:v2+s9+$0x0], $0xffff  }
0x17d: {  	v2 =	vld [tilespmem:$0x1FF40];
	_ =	sdelay $0x4  }
0x17e: {  	v2 =	vor.u32 v2, v0;
	_ =	sdelay $0x3  }
0x17f: {  	[tilespmem:$0x45C0] =	vst v1  }
0x180: {  	v1 =	vld.idx.msk [tilespmem:v2+s9+$0x0], $0xffff  }
0x181: {  	v2 =	vld [tilespmem:$0x1FF50];
	_ =	sdelay $0x4  }
0x182: {  	v2 =	vor.u32 v2, v0;
	_ =	sdelay $0x3  }
0x183: {  	[tilespmem:$0x4640] =	vst v1  }
0x184: {  	v1 =	vld.idx.msk [tilespmem:v2+s9+$0x0], $0xffff  }
0x185: {  	v2 =	vld [tilespmem:$0x1FF60];
	_ =	sdelay $0x4  }
0x186: {  	v2 =	vor.u32 v2, v0;
	_ =	sdelay $0x3  }
0x187: {  	[tilespmem:$0x46C0] =	vst v1  }
0x188: {  	v1 =	vld.idx.msk [tilespmem:v2+s9+$0x0], $0xffff  }
0x189: {  	v2 =	vld [tilespmem:$0x1FF70];
	_ =	sdelay $0x4  }
0x18a: {  	v2 =	vor.u32 v2, v0;
	_ =	sdelay $0x3  }
0x18b: {  	[tilespmem:$0x4740] =	vst v1  }
0x18c: {  	v1 =	vld.idx.msk [tilespmem:v2+s9+$0x0], $0xffff  }
0x18d: {  	v2 =	vld [tilespmem:$0x1FF80];
	_ =	sdelay $0x4  }
0x18e: {  	v2 =	vor.u32 v2, v0;
	_ =	sdelay $0x3  }
0x18f: {  	v3 =	vld [tilespmem:$0x1FF90];
	[tilespmem:$0x47C0] =	vst v1  }
0x190: {  	v1 =	vld.idx.msk [tilespmem:v2+s9+$0x0], $0xffff  }
0x191: {  	v2 =	vld [tilespmem:$0x50];
	_ =	sdelay $0x3  }
0x192: {  	v0 =	vor.u32 v3, v0  }
0x193: {  	[tilespmem:$0x4840] =	vst v1;
	v1 =	vshll.u32 v2, $0x6;
	v2 =	vld [tilespmem:$0x1FFA0];
	_ =	sdelay $0x3  }
0x194: {  	v0 =	vld.idx.msk [tilespmem:v0+s9+$0x0], $0xffff;
	v1 =	vand.u32 $0x40, v1  }
0x195: {  	v2 =	vor.u32 v2, v1;
	_ =	sdelay $0x3  }
0x196: {  	[tilespmem:$0x48C0] =	vst v0  }
0x197: {  	v0 =	vld.idx.msk [tilespmem:v2+s9+$0x0], $0xffff  }
0x198: {  	v2 =	vld [tilespmem:$0x1FFB0];
	_ =	sdelay $0x4  }
0x199: {  	v2 =	vor.u32 v2, v1;
	_ =	sdelay $0x3  }
0x19a: {  	[tilespmem:$0x4150] =	vst v0  }
0x19b: {  	v0 =	vld.idx.msk [tilespmem:v2+s9+$0x0], $0xffff  }
0x19c: {  	v2 =	vld [tilespmem:$0x1FFC0];
	_ =	sdelay $0x4  }
0x19d: {  	v2 =	vor.u32 v2, v1;
	_ =	sdelay $0x3  }
0x19e: {  	[tilespmem:$0x41D0] =	vst v0  }
0x19f: {  	v0 =	vld.idx.msk [tilespmem:v2+s9+$0x0], $0xffff  }
0x1a0: {  	v2 =	vld [tilespmem:$0x1FFD0];
	_ =	sdelay $0x4  }
0x1a1: {  	v2 =	vor.u32 v2, v1;
	_ =	sdelay $0x3  }
0x1a2: {  	[tilespmem:$0x4250] =	vst v0  }
0x1a3: {  	v0 =	vld.idx.msk [tilespmem:v2+s9+$0x0], $0xffff  }
0x1a4: {  	v2 =	vld [tilespmem:$0x1FFE0];
	_ =	sdelay $0x4  }
0x1a5: {  	v2 =	vor.u32 v2, v1;
	_ =	sdelay $0x3  }
0x1a6: {  	[tilespmem:$0x42D0] =	vst v0  }
0x1a7: {  	v0 =	vld.idx.msk [tilespmem:v2+s9+$0x0], $0xffff  }
0x1a8: {  	v2 =	vld [tilespmem:$0x1FFF0];
	_ =	sdelay $0x4  }
0x1a9: {  	v2 =	vor.u32 v2, v1;
	_ =	sdelay $0x3  }
0x1aa: {  	[tilespmem:$0x4350] =	vst v0  }
0x1ab: {  	v0 =	vld.idx.msk [tilespmem:v2+s9+$0x0], $0xffff  }
0x1ac: {  	v2 =	vor.u32 v6, v1;
	_ =	sdelay $0x3  }
0x1ad: {  	[tilespmem:$0x43D0] =	vst v0  }
0x1ae: {  	v0 =	vld.idx.msk [tilespmem:v2+s9+$0x0], $0xffff  }
0x1af: {  	v2 =	vor.u32 v7, v1;
	_ =	sdelay $0x3  }
0x1b0: {  	[tilespmem:$0x4450] =	vst v0  }
0x1b1: {  	v0 =	vld.idx.msk [tilespmem:v2+s9+$0x0], $0xffff  }
0x1b2: {  	v2 =	vor.u32 v8, v1;
	_ =	sdelay $0x3  }
0x1b3: {  	[tilespmem:$0x44D0] =	vst v0  }
0x1b4: {  	v0 =	vld.idx.msk [tilespmem:v2+s9+$0x0], $0xffff  }
0x1b5: {  	v2 =	vor.u32 v9, v1;
	_ =	sdelay $0x3  }
0x1b6: {  	[tilespmem:$0x4550] =	vst v0  }
0x1b7: {  	v0 =	vld.idx.msk [tilespmem:v2+s9+$0x0], $0xffff  }
0x1b8: {  	v2 =	vor.u32 v10, v1;
	_ =	sdelay $0x3  }
0x1b9: {  	[tilespmem:$0x45D0] =	vst v0  }
0x1ba: {  	v0 =	vld.idx.msk [tilespmem:v2+s9+$0x0], $0xffff  }
0x1bb: {  	v2 =	vor.u32 v11, v1;
	_ =	sdelay $0x3  }
0x1bc: {  	[tilespmem:$0x4650] =	vst v0  }
0x1bd: {  	v0 =	vld.idx.msk [tilespmem:v2+s9+$0x0], $0xffff  }
0x1be: {  	v2 =	vor.u32 v12, v1;
	_ =	sdelay $0x3  }
0x1bf: {  	[tilespmem:$0x46D0] =	vst v0  }
0x1c0: {  	v0 =	vld.idx.msk [tilespmem:v2+s9+$0x0], $0xffff  }
0x1c1: {  	v2 =	vor.u32 v13, v1;
	_ =	sdelay $0x3  }
0x1c2: {  	[tilespmem:$0x4750] =	vst v0  }
0x1c3: {  	v0 =	vld.idx.msk [tilespmem:v2+s9+$0x0], $0xffff  }
0x1c4: {  	v2 =	vor.u32 v14, v1;
	_ =	sdelay $0x3  }
0x1c5: {  	[tilespmem:$0x47D0] =	vst v0  }
0x1c6: {  	v0 =	vld.idx.msk [tilespmem:v2+s9+$0x0], $0xffff  }
0x1c7: {  	v2 =	vld [tilespmem:$0x60]  }
0x1c8: {  	v1 =	vor.u32 v15, v1;
	_ =	sdelay $0x3  }
0x1c9: {  	[tilespmem:$0x4850] =	vst v0;
	v0 =	vshll.u32 v2, $0x6  }
0x1ca: {  	v1 =	vld.idx.msk [tilespmem:v1+s9+$0x0], $0xffff;
	v0 =	vand.u32 $0x40, v0  }
0x1cb: {  	v2 =	vor.u32 v32, v0;
	_ =	sdelay $0x3  }
0x1cc: {  	[tilespmem:$0x48D0] =	vst v1  }
0x1cd: {  	v1 =	vld.idx.msk [tilespmem:v2+s9+$0x0], $0xffff  }
0x1ce: {  	v2 =	vor.u32 v33, v0;
	_ =	sdelay $0x3  }
0x1cf: {  	[tilespmem:$0x4160] =	vst v1  }
0x1d0: {  	v1 =	vld.idx.msk [tilespmem:v2+s9+$0x0], $0xffff  }
0x1d1: {  	v2 =	vor.u32 v34, v0;
	_ =	sdelay $0x3  }
0x1d2: {  	[tilespmem:$0x41E0] =	vst v1  }
0x1d3: {  	v1 =	vld.idx.msk [tilespmem:v2+s9+$0x0], $0xffff  }
0x1d4: {  	v2 =	vor.u32 v35, v0;
	_ =	sdelay $0x3  }
0x1d5: {  	[tilespmem:$0x4260] =	vst v1  }
0x1d6: {  	v1 =	vld.idx.msk [tilespmem:v2+s9+$0x0], $0xffff  }
0x1d7: {  	v2 =	vor.u32 v36, v0;
	_ =	sdelay $0x3  }
0x1d8: {  	[tilespmem:$0x42E0] =	vst v1  }
0x1d9: {  	v1 =	vld.idx.msk [tilespmem:v2+s9+$0x0], $0xffff  }
0x1da: {  	v2 =	vor.u32 v37, v0;
	_ =	sdelay $0x3  }
0x1db: {  	[tilespmem:$0x4360] =	vst v1  }
0x1dc: {  	v1 =	vld.idx.msk [tilespmem:v2+s9+$0x0], $0xffff  }
0x1dd: {  	v2 =	vor.u32 v38, v0;
	_ =	sdelay $0x3  }
0x1de: {  	[tilespmem:$0x43E0] =	vst v1  }
0x1df: {  	v1 =	vld.idx.msk [tilespmem:v2+s9+$0x0], $0xffff  }
0x1e0: {  	v2 =	vor.u32 v39, v0;
	_ =	sdelay $0x3  }
0x1e1: {  	[tilespmem:$0x4460] =	vst v1  }
0x1e2: {  	v1 =	vld.idx.msk [tilespmem:v2+s9+$0x0], $0xffff  }
0x1e3: {  	v2 =	vor.u32 v40, v0;
	_ =	sdelay $0x3  }
0x1e4: {  	[tilespmem:$0x44E0] =	vst v1  }
0x1e5: {  	v1 =	vld.idx.msk [tilespmem:v2+s9+$0x0], $0xffff  }
0x1e6: {  	v2 =	vor.u32 v41, v0;
	_ =	sdelay $0x3  }
0x1e7: {  	[tilespmem:$0x4560] =	vst v1  }
0x1e8: {  	v1 =	vld.idx.msk [tilespmem:v2+s9+$0x0], $0xffff  }
0x1e9: {  	v2 =	vor.u32 v42, v0;
	_ =	sdelay $0x3  }
0x1ea: {  	[tilespmem:$0x45E0] =	vst v1  }
0x1eb: {  	v1 =	vld.idx.msk [tilespmem:v2+s9+$0x0], $0xffff  }
0x1ec: {  	v2 =	vor.u32 v43, v0;
	_ =	sdelay $0x3  }
0x1ed: {  	[tilespmem:$0x4660] =	vst v1  }
0x1ee: {  	v1 =	vld.idx.msk [tilespmem:v2+s9+$0x0], $0xffff  }
0x1ef: {  	v2 =	vor.u32 v44, v0;
	_ =	sdelay $0x3  }
0x1f0: {  	[tilespmem:$0x46E0] =	vst v1  }
0x1f1: {  	v1 =	vld.idx.msk [tilespmem:v2+s9+$0x0], $0xffff  }
0x1f2: {  	v2 =	vor.u32 v45, v0;
	_ =	sdelay $0x3  }
0x1f3: {  	[tilespmem:$0x4760] =	vst v1  }
0x1f4: {  	v1 =	vld.idx.msk [tilespmem:v2+s9+$0x0], $0xffff  }
0x1f5: {  	v2 =	vor.u32 v46, v0;
	_ =	sdelay $0x3  }
0x1f6: {  	[tilespmem:$0x47E0] =	vst v1  }
0x1f7: {  	v1 =	vld.idx.msk [tilespmem:v2+s9+$0x0], $0xffff  }
0x1f8: {  	v2 =	vld [tilespmem:$0x70]  }
0x1f9: {  	v0 =	vor.u32 v47, v0;
	_ =	sdelay $0x3  }
0x1fa: {  	[tilespmem:$0x4860] =	vst v1;
	v1 =	vshll.u32 v2, $0x6  }
0x1fb: {  	v0 =	vld.idx.msk [tilespmem:v0+s9+$0x0], $0xffff;
	v1 =	vand.u32 $0x40, v1  }
0x1fc: {  	v2 =	vor.u32 v48, v1;
	_ =	sdelay $0x3  }
0x1fd: {  	[tilespmem:$0x48E0] =	vst v0  }
0x1fe: {  	v0 =	vld.idx.msk [tilespmem:v2+s9+$0x0], $0xffff  }
0x1ff: {  	v2 =	vor.u32 v49, v1;
	_ =	sdelay $0x3  }
0x200: {  	[tilespmem:$0x4170] =	vst v0  }
0x201: {  	v0 =	vld.idx.msk [tilespmem:v2+s9+$0x0], $0xffff  }
0x202: {  	v2 =	vor.u32 v50, v1;
	_ =	sdelay $0x3  }
0x203: {  	[tilespmem:$0x41F0] =	vst v0  }
0x204: {  	v0 =	vld.idx.msk [tilespmem:v2+s9+$0x0], $0xffff  }
0x205: {  	v2 =	vor.u32 v51, v1;
	_ =	sdelay $0x3  }
0x206: {  	[tilespmem:$0x4270] =	vst v0  }
0x207: {  	v0 =	vld.idx.msk [tilespmem:v2+s9+$0x0], $0xffff  }
0x208: {  	v2 =	vor.u32 v52, v1;
	_ =	sdelay $0x3  }
0x209: {  	[tilespmem:$0x42F0] =	vst v0  }
0x20a: {  	v0 =	vld.idx.msk [tilespmem:v2+s9+$0x0], $0xffff  }
0x20b: {  	v2 =	vor.u32 v53, v1;
	_ =	sdelay $0x3  }
0x20c: {  	[tilespmem:$0x4370] =	vst v0  }
0x20d: {  	v0 =	vld.idx.msk [tilespmem:v2+s9+$0x0], $0xffff  }
0x20e: {  	v2 =	vor.u32 v54, v1;
	_ =	sdelay $0x3  }
0x20f: {  	[tilespmem:$0x43F0] =	vst v0  }
0x210: {  	v0 =	vld.idx.msk [tilespmem:v2+s9+$0x0], $0xffff  }
0x211: {  	v2 =	vor.u32 v55, v1;
	_ =	sdelay $0x3  }
0x212: {  	[tilespmem:$0x4470] =	vst v0  }
0x213: {  	v0 =	vld.idx.msk [tilespmem:v2+s9+$0x0], $0xffff  }
0x214: {  	v2 =	vor.u32 v56, v1;
	_ =	sdelay $0x3  }
0x215: {  	[tilespmem:$0x44F0] =	vst v0  }
0x216: {  	v0 =	vld.idx.msk [tilespmem:v2+s9+$0x0], $0xffff  }
0x217: {  	v2 =	vor.u32 v57, v1;
	_ =	sdelay $0x3  }
0x218: {  	[tilespmem:$0x4570] =	vst v0  }
0x219: {  	v0 =	vld.idx.msk [tilespmem:v2+s9+$0x0], $0xffff  }
0x21a: {  	v2 =	vor.u32 v58, v1;
	_ =	sdelay $0x3  }
0x21b: {  	[tilespmem:$0x45F0] =	vst v0  }
0x21c: {  	v0 =	vld.idx.msk [tilespmem:v2+s9+$0x0], $0xffff  }
0x21d: {  	v2 =	vor.u32 v59, v1;
	_ =	sdelay $0x3  }
0x21e: {  	[tilespmem:$0x4670] =	vst v0  }
0x21f: {  	v0 =	vld.idx.msk [tilespmem:v2+s9+$0x0], $0xffff  }
0x220: {  	v2 =	vor.u32 v60, v1;
	_ =	sdelay $0x3  }
0x221: {  	[tilespmem:$0x46F0] =	vst v0  }
0x222: {  	v0 =	vld.idx.msk [tilespmem:v2+s9+$0x0], $0xffff  }
0x223: {  	v2 =	vor.u32 v61, v1;
	_ =	sdelay $0x3  }
0x224: {  	[tilespmem:$0x4770] =	vst v0  }
0x225: {  	v0 =	vld.idx.msk [tilespmem:v2+s9+$0x0], $0xffff  }
0x226: {  	v2 =	vor.u32 v62, v1;
	_ =	sdelay $0x3  }
0x227: {  	[tilespmem:$0x47F0] =	vst v0  }
0x228: {  	v0 =	vld.idx.msk [tilespmem:v2+s9+$0x0], $0xffff  }
0x229: {  	v1 =	vor.u32 v63, v1;
	_ =	sdelay $0x3  }
0x22a: {  	[tilespmem:$0x4870] =	vst v0  }
0x22b: {  	v0 =	vld.idx.msk [tilespmem:v1+s9+$0x0], $0xffff;
	_ =	sdelay $0x3  }
0x22c: {  	p0 =	sne.s32 s6, $0x1  }
.Ltmp0:
0x22d: {  	[tilespmem:$0x48F0] =	vst v0;
	(pc) =	sbr.rel @p0 .LBB2_1-.Ltmp0, $4  }
0x22e: {  	[hbm4b:s5+s11] =	stream.strided.scatter [tilespmem:s13], [sflag:$0x2], $0x800, s12, s11, $0x38;
	[tilespmem:$0x4900] =	vst v63  }
0x22f: {  	_ =	swait.ge [sflag:s7], $0x800  }
0x230: {  	[sflag:s7] =	ssyncset.done $0x0  }
0x231: {  	s6 =	sadd.s32 $0xFFFFFFFF, s6;
	[sflag:s7] =	ssyncadd.s32 $0xFFFFF800  }
0x232: {  	_ =	sfence.sel $0x180000  }
0x233: {  	[bflag:$0x0] =	sbarrier.arrive $0xFFFF  }
0x234: {  	p0 =	sne.s32 s0, $0x0;
	_ =	strace $0x90000047  }
0x235: {  	s0 =	sadd.s32 @!p0 $0x100000, s2;
	[bflag:$0x2] =	sbarrier.arrive $0xFFFF  }
0x236: {  	[sflag:s0] =	ssyncadd.tile.s32 @!p0 $0x1;
	_ =	shalt  }
.Lfunc_end2:
_tile_overlayer_lowered:
.L_overlay_start_2:
0x237: {  	(tag) =	ssettag $0x2  }
0x238: {  	s0 =	rddreg [dreg:$0x0];
	s2 =	stileid.u32  }
0x239: {  	s1 =	rddreg [dreg:$0x1];
	p0 =	sne.s32 s2, $0x0  }
0x23a: {  	s3 =	rddreg [dreg:$0x2];
	[bflag:$0x3] =	sbarrier.arrive $0xFFFF;
	s2 =	simm.s32 @!p0 $0x1C02  }
0x23b: {  	[timem:s3], [sflag:s2] =	dma.local @!p0 [hbm:s0], s1  }
0x23c: {  	s0 =	simm.s32 @!p0 $0x2  }
0x23d: {  	_ =	swait.ge @!p0 [sflag:s0], s1  }
0x23e: {  	s1 =	ssub.s32 @!p0 $0x0, s1;
	[sflag:s0] =	ssyncset.done @!p0 $0x0  }
0x23f: {  	[sflag:s0] =	ssyncadd.s32 @!p0 s1  }
0x240: {  	[bflag:$0x3] =	sbarrier.arrive $0xFFFF  }
0x241: {  	_ =	shalt  }

</sc_bundles>
